<compile_context>
chip_gen: v7x
topology: tpu7x:2x2x1
jax: 0.10.2.dev20260603
libtpu: 0.0.44.dev20260713+nightly
codegen_flags: <defaults>
</compile_context>

<pallas_src>
import functools

import jax
import jax.numpy as jnp
from jax import lax
from jax.experimental import pallas as pl
from jax.experimental.pallas import tpu as pltpu
from jax.experimental.pallas import tpu_sc as plsc

N_NODES = 100000
N_EDGES = 6400000
N_GRAPHS = 64

NC = 2
NS = 16
NW = NC * NS
L = 16

NP = 102400
PER_TILE_NP = NP // NS
PER_W_NP = NP // NW

CHUNK = 2048
NCH = N_EDGES // CHUNK
CNT = 97
EXTRA2 = NCH - NW * CNT
NBUF = 4
LA = 3
GROUPS = 24
U = 8

_mesh = plsc.VectorSubcoreMesh(core_axis_name="c", subcore_axis_name="s")


@functools.partial(
    pl.kernel,
    out_type=jax.ShapeDtypeStruct((NC, NP), jnp.float32),
    mesh=_mesh,
    scratch_types=[
        pltpu.VMEM((N_NODES,), jnp.float32),
    ] + [pltpu.VMEM((CHUNK,), jnp.int32) for _ in range(NBUF)]
      + [pltpu.VMEM((CHUNK,), jnp.int32) for _ in range(NBUF)]
      + [pltpu.VMEM((CHUNK,), jnp.float32) for _ in range(NBUF)]
      + [pltpu.VMEM_SHARED((NP,), jnp.float32)]
      + [pltpu.SemaphoreType.DMA]
      + [pltpu.SemaphoreType.DMA for _ in range(NBUF)]
      + [pltpu.SemaphoreType.DMA for _ in range(NBUF)],
    compiler_params=pltpu.CompilerParams(needs_layout_passes=False),
)
def _edge_kernel(edge_hbm, x_hbm, aggp_hbm, x_v, *rest):
    src = rest[0:NBUF]
    dst = rest[NBUF:2 * NBUF]
    vals = rest[2 * NBUF:3 * NBUF]
    agg_sh = rest[3 * NBUF]
    xsem = rest[3 * NBUF + 1]
    isem = rest[3 * NBUF + 2:3 * NBUF + 2 + NBUF]
    ssem = rest[3 * NBUF + 2 + NBUF:3 * NBUF + 2 + 2 * NBUF]
    cid = lax.axis_index("c")
    sid = lax.axis_index("s")
    wid = sid * NC + cid

    xcopy = pltpu.async_copy(x_hbm, x_v, xsem)

    valsA = vals[0]

    def _z(i, _):
        valsA[pl.ds(i * L, L)] = jnp.zeros((L,), jnp.float32)
        return 0
    lax.fori_loop(0, CHUNK // L, _z, 0)
    z0 = sid * PER_TILE_NP
    _rem = PER_TILE_NP - (PER_TILE_NP // CHUNK) * CHUNK
    zs = [pltpu.async_copy(valsA, agg_sh.at[pl.ds(z0 + p * CHUNK, CHUNK)],
                           ssem[p]) for p in range(PER_TILE_NP // CHUNK)]
    zs.append(pltpu.async_copy(valsA.at[pl.ds(0, _rem)],
                               agg_sh.at[pl.ds(z0 + PER_TILE_NP - _rem, _rem)],
                               ssem[3]))
    for z in zs:
        z.wait()

    start = wid * CNT + jnp.minimum(wid, EXTRA2)

    cnt_w = jnp.where(wid < EXTRA2, CNT + 1, CNT)

    def issue_idx(c, b):
        e0 = c * CHUNK
        pltpu.async_copy(edge_hbm.at[0, pl.ds(e0, CHUNK)], src[b], isem[b])
        pltpu.async_copy(edge_hbm.at[1, pl.ds(e0, CHUNK)], dst[b], isem[b])

    def wait_idx(c, b):
        e0 = c * CHUNK
        pltpu.make_async_copy(edge_hbm.at[0, pl.ds(e0, CHUNK)], src[b], isem[b]).wait()
        pltpu.make_async_copy(edge_hbm.at[1, pl.ds(e0, CHUNK)], dst[b], isem[b]).wait()

    def start_scatter(b):
        return pltpu.async_copy(vals[b], agg_sh.at[dst[b]], ssem[b], add=True)

    def drain_scatter(b):
        pltpu.make_async_copy(vals[b], agg_sh.at[dst[b]], ssem[b]).wait()

    def gather_loop(b):
        src_v, vals_v = src[b], vals[b]

        @plsc.parallel_loop(0, CHUNK // L, unroll=U)
        def _g(i):
            off = i * L
            idx = src_v[pl.ds(off, L)]
            vals_v[pl.ds(off, L)] = plsc.load_gather(x_v, [idx])

    for b in range(LA):
        issue_idx(start + b, b)
    xcopy.wait()
    plsc.subcore_barrier()

    def _group(g, _):
        j0 = NBUF * g
        for b in range(NBUF):
            j = j0 + b
            c = start + j
            wait_idx(c, b)
            gather_loop(b)
            start_scatter(b)
            pb = (b + LA) % NBUF
            if b == 0:
                @pl.when(g > 0)
                def _():
                    drain_scatter(pb)
            else:
                drain_scatter(pb)

            @pl.when(j + LA < cnt_w)
            def _():
                issue_idx(c + LA, pb)
        return 0
    lax.fori_loop(0, GROUPS, _group, 0)

    j96 = NBUF * GROUPS
    wait_idx(start + j96, 0)
    gather_loop(0)
    start_scatter(0)

    @pl.when(wid < EXTRA2)
    def _():
        wait_idx(start + j96 + 1, 1)
        gather_loop(1)
        start_scatter(1).wait()
    drain_scatter(NBUF - 1)
    drain_scatter(0)

    plsc.subcore_barrier()
    obuf = [vals[0], vals[1], vals[2], vals[3]]
    o1 = [pltpu.async_copy(agg_sh.at[pl.ds(z0 + p * CHUNK, CHUNK)], obuf[p],
                           isem[p]) for p in range(PER_TILE_NP // CHUNK)]
    o1.append(pltpu.async_copy(agg_sh.at[pl.ds(z0 + PER_TILE_NP - _rem, _rem)],
                               obuf[3].at[pl.ds(0, _rem)], isem[3]))
    for o in o1:
        o.wait()
    o2 = [pltpu.async_copy(obuf[p], aggp_hbm.at[cid, pl.ds(z0 + p * CHUNK, CHUNK)],
                           ssem[p]) for p in range(PER_TILE_NP // CHUNK)]
    o2.append(pltpu.async_copy(obuf[3].at[pl.ds(0, _rem)],
                               aggp_hbm.at[cid, pl.ds(z0 + PER_TILE_NP - _rem, _rem)],
                               ssem[3]))
    for o in o2:
        o.wait()


@functools.partial(
    pl.kernel,
    out_type=(jax.ShapeDtypeStruct((NC, 128), jnp.float32),
              jax.ShapeDtypeStruct((NC, 128), jnp.float32)),
    mesh=_mesh,
    scratch_types=[
        pltpu.VMEM((PER_W_NP,), jnp.float32),
        pltpu.VMEM((PER_W_NP,), jnp.float32),
        pltpu.VMEM((PER_W_NP,), jnp.float32),
        pltpu.VMEM((PER_W_NP,), jnp.float32),
        pltpu.VMEM((PER_W_NP,), jnp.int32),
        pltpu.VMEM((128,), jnp.float32),
        pltpu.VMEM_SHARED((128,), jnp.float32),
        pltpu.VMEM_SHARED((128,), jnp.float32),
        pltpu.SemaphoreType.DMA,
        pltpu.SemaphoreType.DMA,
        pltpu.SemaphoreType.DMA,
    ],
)
def _pool_kernel(aggp_hbm, batch_hbm, sums_hbm, cnts_hbm,
                 a0_v, a1_v, h_v, ones_v, bidx_v, stage_v,
                 sums_sh, cnts_sh, hsem, csem, insem):
    cid = lax.axis_index("c")
    sid = lax.axis_index("s")
    wid = cid * NS + sid

    for i in range(128 // L):
        stage_v[pl.ds(i * L, L)] = jnp.zeros((L,), jnp.float32)

    @pl.when(sid == 0)
    def _():
        pltpu.sync_copy(stage_v, sums_sh)
        pltpu.sync_copy(stage_v, cnts_sh)
    plsc.subcore_barrier()

    base = wid * PER_W_NP
    i0 = pltpu.async_copy(aggp_hbm.at[0, pl.ds(base, PER_W_NP)], a0_v, insem)
    i1 = pltpu.async_copy(aggp_hbm.at[1, pl.ds(base, PER_W_NP)], a1_v, insem)
    i2 = pltpu.async_copy(batch_hbm.at[pl.ds(base, PER_W_NP)], bidx_v, insem)
    i0.wait()
    i1.wait()
    i2.wait()

    @plsc.parallel_loop(0, PER_W_NP // L, unroll=8)
    def _relu(i):
        off = i * L
        a = a0_v[pl.ds(off, L)] + a1_v[pl.ds(off, L)]
        h_v[pl.ds(off, L)] = jnp.maximum(a, 0.0)
        ones_v[pl.ds(off, L)] = jnp.ones((L,), jnp.float32)

    sh = pltpu.async_copy(h_v, sums_sh.at[bidx_v], hsem, add=True)
    sc = pltpu.async_copy(ones_v, cnts_sh.at[bidx_v], csem, add=True)
    sh.wait()
    sc.wait()

    plsc.subcore_barrier()

    @pl.when(sid == 0)
    def _():
        pltpu.sync_copy(sums_sh, stage_v)
        pltpu.sync_copy(stage_v, sums_hbm.at[cid])
        pltpu.sync_copy(cnts_sh, stage_v)
        pltpu.sync_copy(stage_v, cnts_hbm.at[cid])


def kernel(x, edge_index, batch, W, b):
    ei = edge_index.astype(jnp.int32)
    batch_p = jnp.concatenate(
        [batch.astype(jnp.int32),
         jnp.full((NP - N_NODES,), N_GRAPHS, jnp.int32)])

    aggp = _edge_kernel(ei, x.reshape(-1))
    sums, cnts = _pool_kernel(aggp, batch_p)

    tot_s = sums[0] + sums[1]
    tot_c = cnts[0] + cnts[1]
    pooled = tot_s[:N_GRAPHS] / jnp.maximum(tot_c[:N_GRAPHS], 1.0)
    return pooled[:, None] * W[0, 0] + b

# --- scband reference (transcript-rebuilt; emitter-appended) ---
"""Pipeline reference for scband-model-24945170055652 (READ-ONLY COPY).

The authoritative reference and input builder live on the scoring server;
editing this copy changes nothing except your own understanding.
"""

import jax, jax.numpy as jnp
import numpy as np

N_NODES = 100000
N_EDGES = 6400000
N_GRAPHS = 64
D = 1

def setup_inputs(seed: int = 0) -> dict:
    key = jax.random.key(seed)
    k1, k2, k3, k4, k5 = jax.random.split(key, 5)
    x = jax.random.normal(k1, (N_NODES, D), dtype=jnp.float32)
    edge_index = jax.random.randint(k2, (2, N_EDGES), 0, N_NODES, dtype=jnp.int64)
    batch = jnp.sort(jax.random.randint(k3, (N_NODES,), 0, N_GRAPHS, dtype=jnp.int64))
    # Linear(1, 1) parameters
    W = jax.random.normal(k4, (1, 1), dtype=jnp.float32) * (1.0 / np.sqrt(1.0))
    b = jax.random.normal(k5, (1,), dtype=jnp.float32) * 0.1
    return {"x": x, "edge_index": edge_index, "batch": batch, "W": W, "b": b}

def reference(x, edge_index, batch, W, b):
    # SimpleConv (PyG, aggr='sum', combine_root=None):
    # out[i] = sum_{e: dst_e == i} x[src_e]
    src = edge_index[0]
    dst = edge_index[1]
    msg = jnp.take(x, src, axis=0)                                  # gather [E, D]
    agg = jax.ops.segment_sum(msg, dst, num_segments=N_NODES)       # scatter-add [N, D]
    h = jax.nn.relu(agg)
    # global_mean_pool over `batch` graph assignment
    sums = jax.ops.segment_sum(h, batch, num_segments=N_GRAPHS)     # [G, D]
    counts = jax.ops.segment_sum(jnp.ones((h.shape[0], 1), dtype=h.dtype), batch, num_segments=N_GRAPHS)
    pooled = sums / jnp.maximum(counts, 1.0)                        # [G, D]
    # Linear(1, 1)
    out = pooled @ W.T + b                                          # [G, 1]
    return out

if __name__ == "__main__":
    import jax
    _d = setup_inputs()
    print(jax.jit(kernel)(*tuple(_d.values())))

</pallas_src>

<mosaic_0001>
#map = affine_map<(d0, d1) -> (0, 0)>
#map1 = affine_map<(d0, d1) -> (0)>
module attributes {stable_mosaic.version = 14 : i64} {
  func.func @_edge_kernel(%arg0: i32, %arg1: i32, %arg2: memref<2x6400000xi32, #tpu.memory_space<hbm>>, %arg3: memref<100000xf32, #tpu.memory_space<hbm>>, %arg4: memref<2x102400xf32, #tpu.memory_space<hbm>>, %arg5: memref<100000xf32, #tpu.memory_space<vmem>>, %arg6: memref<2048xi32, #tpu.memory_space<vmem>>, %arg7: memref<2048xi32, #tpu.memory_space<vmem>>, %arg8: memref<2048xi32, #tpu.memory_space<vmem>>, %arg9: memref<2048xi32, #tpu.memory_space<vmem>>, %arg10: memref<2048xi32, #tpu.memory_space<vmem>>, %arg11: memref<2048xi32, #tpu.memory_space<vmem>>, %arg12: memref<2048xi32, #tpu.memory_space<vmem>>, %arg13: memref<2048xi32, #tpu.memory_space<vmem>>, %arg14: memref<2048xf32, #tpu.memory_space<vmem>>, %arg15: memref<2048xf32, #tpu.memory_space<vmem>>, %arg16: memref<2048xf32, #tpu.memory_space<vmem>>, %arg17: memref<2048xf32, #tpu.memory_space<vmem>>, %arg18: memref<102400xf32, #tpu.memory_space<vmem_shared>>, %arg19: memref<!tpu.dma_semaphore, #tpu.memory_space<semaphore_mem>>, %arg20: memref<!tpu.dma_semaphore, #tpu.memory_space<semaphore_mem>>, %arg21: memref<!tpu.dma_semaphore, #tpu.memory_space<semaphore_mem>>, %arg22: memref<!tpu.dma_semaphore, #tpu.memory_space<semaphore_mem>>, %arg23: memref<!tpu.dma_semaphore, #tpu.memory_space<semaphore_mem>>, %arg24: memref<!tpu.dma_semaphore, #tpu.memory_space<semaphore_mem>>, %arg25: memref<!tpu.dma_semaphore, #tpu.memory_space<semaphore_mem>>, %arg26: memref<!tpu.dma_semaphore, #tpu.memory_space<semaphore_mem>>, %arg27: memref<!tpu.dma_semaphore, #tpu.memory_space<semaphore_mem>>) attributes {dimension_semantics = [#tpu.dimension_semantics<core_parallel>, #tpu.dimension_semantics<subcore_parallel>], iteration_bounds = array<i64: 2, 16>, scalar_prefetch = 0 : i64, scratch_operands = 23 : i64, tpu.core_type = #tpu.core_type<sc_vector_subcore>, window_params = [{transform_indices = #map}, {transform_indices = #map1}, {transform_indices = #map}]} {
    %mul3A = arith.constant 2 : i32
    %mul3A_0 = arith.muli %arg1, %mul3A : i32
    %add3A = arith.addi %mul3A_0, %arg0 : i32
    tpu.enqueue_dma source(%arg3 : memref<100000xf32, #tpu.memory_space<hbm>>) target(%arg5 : memref<100000xf32, #tpu.memory_space<vmem>>) target_semaphore(%arg19 : memref<!tpu.dma_semaphore, #tpu.memory_space<semaphore_mem>>)
    %scan3A = arith.constant 0 : i32
    %scan3A_1 = arith.constant 0 : i32
    %scan3A_2 = arith.constant 128 : i32
    %scan3A_3 = arith.addi %scan3A_1, %scan3A_2 : i32
    %scan3A_4 = arith.constant 1 : i32
    %scan3A_5 = scf.for %scan3A_205 = %scan3A_1 to %scan3A_3 step %scan3A_4 iter_args(%scan3A_206 = %scan3A) -> (i32)  : i32 {
      %broadcast_in_dim3A = arith.constant 0.000000e+00 : f32
      %broadcast_in_dim3A_207 = vector.broadcast %broadcast_in_dim3A : f32 to vector<16xf32>
      %mul3A_208 = arith.constant 16 : i32
      %mul3A_209 = arith.muli %scan3A_205, %mul3A_208 : i32
      %swap3A = arith.index_cast %mul3A_209 : i32 to index
      %swap3A_210 = tpu.vector_load %arg14[%swap3A] {strides = array<i32>} : memref<2048xf32, #tpu.memory_space<vmem>>, vector<16xf32>,
      tpu.vector_store %arg14[%swap3A], %broadcast_in_dim3A_207 {strides = array<i32>} : memref<2048xf32, #tpu.memory_space<vmem>>, vector<16xf32>,
      %scan3A_211 = arith.constant 0 : i32
      scf.yield %scan3A_211 : i32
    }
    %scan3A_6 = arith.constant 128 : i32
    %mul3A_7 = arith.constant 6400 : i32
    %mul3A_8 = arith.muli %arg1, %mul3A_7 : i32
    %add3A_9 = arith.constant 0 : i32
    %add3A_10 = arith.addi %mul3A_8, %add3A_9 : i32
    %dma_start3A = tpu.memref_slice %arg18[%add3A_10] : memref<102400xf32, #tpu.memory_space<vmem_shared>> -> memref<2048xf32, #tpu.memory_space<vmem_shared>>
    %dma_start3A_11 = tpu.memref_slice %arg18[%add3A_10] : memref<102400xf32, #tpu.memory_space<vmem_shared>> -> memref<2048xf32, #tpu.memory_space<vmem_shared>>
    tpu.enqueue_dma source(%arg14 : memref<2048xf32, #tpu.memory_space<vmem>>) target(%dma_start3A_11 : memref<2048xf32, #tpu.memory_space<vmem_shared>>) target_semaphore(%arg24 : memref<!tpu.dma_semaphore, #tpu.memory_space<semaphore_mem>>)
    %add3A_12 = arith.constant 2048 : i32
    %add3A_13 = arith.addi %mul3A_8, %add3A_12 : i32
    %dma_start3A_14 = tpu.memref_slice %arg18[%add3A_13] : memref<102400xf32, #tpu.memory_space<vmem_shared>> -> memref<2048xf32, #tpu.memory_space<vmem_shared>>
    %dma_start3A_15 = tpu.memref_slice %arg18[%add3A_13] : memref<102400xf32, #tpu.memory_space<vmem_shared>> -> memref<2048xf32, #tpu.memory_space<vmem_shared>>
    tpu.enqueue_dma source(%arg14 : memref<2048xf32, #tpu.memory_space<vmem>>) target(%dma_start3A_15 : memref<2048xf32, #tpu.memory_space<vmem_shared>>) target_semaphore(%arg25 : memref<!tpu.dma_semaphore, #tpu.memory_space<semaphore_mem>>)
    %add3A_16 = arith.constant 4096 : i32
    %add3A_17 = arith.addi %mul3A_8, %add3A_16 : i32
    %dma_start3A_18 = tpu.memref_slice %arg18[%add3A_17] : memref<102400xf32, #tpu.memory_space<vmem_shared>> -> memref<2048xf32, #tpu.memory_space<vmem_shared>>
    %dma_start3A_19 = tpu.memref_slice %arg18[%add3A_17] : memref<102400xf32, #tpu.memory_space<vmem_shared>> -> memref<2048xf32, #tpu.memory_space<vmem_shared>>
    tpu.enqueue_dma source(%arg14 : memref<2048xf32, #tpu.memory_space<vmem>>) target(%dma_start3A_19 : memref<2048xf32, #tpu.memory_space<vmem_shared>>) target_semaphore(%arg26 : memref<!tpu.dma_semaphore, #tpu.memory_space<semaphore_mem>>)
    %add3A_20 = arith.constant 6400 : i32
    %add3A_21 = arith.addi %mul3A_8, %add3A_20 : i32
    %sub3A = arith.constant 256 : i32
    %sub3A_22 = arith.subi %add3A_21, %sub3A : i32
    %dma_start3A_23 = arith.constant 0 : i32
    %dma_start3A_24 = tpu.memref_slice %arg14[%dma_start3A_23] : memref<2048xf32, #tpu.memory_space<vmem>> -> memref<256xf32, #tpu.memory_space<vmem>>
    %dma_start3A_25 = tpu.memref_slice %arg18[%sub3A_22] : memref<102400xf32, #tpu.memory_space<vmem_shared>> -> memref<256xf32, #tpu.memory_space<vmem_shared>>
    %dma_start3A_26 = tpu.memref_slice %arg18[%sub3A_22] : memref<102400xf32, #tpu.memory_space<vmem_shared>> -> memref<256xf32, #tpu.memory_space<vmem_shared>>
    %dma_start3A_27 = arith.constant 0 : i32
    %dma_start3A_28 = tpu.memref_slice %arg14[%dma_start3A_27] : memref<2048xf32, #tpu.memory_space<vmem>> -> memref<256xf32, #tpu.memory_space<vmem>>
    tpu.enqueue_dma source(%dma_start3A_28 : memref<256xf32, #tpu.memory_space<vmem>>) target(%dma_start3A_26 : memref<256xf32, #tpu.memory_space<vmem_shared>>) target_semaphore(%arg27 : memref<!tpu.dma_semaphore, #tpu.memory_space<semaphore_mem>>)
    %dma_wait3A = tpu.memref_slice %arg18[%add3A_10] : memref<102400xf32, #tpu.memory_space<vmem_shared>> -> memref<2048xf32, #tpu.memory_space<vmem_shared>>
    %dma_wait3A_29 = tpu.memref_slice %arg18[%add3A_10] : memref<102400xf32, #tpu.memory_space<vmem_shared>> -> memref<2048xf32, #tpu.memory_space<vmem_shared>>
    tpu.wait_dma2 semaphore(%arg24 : memref<!tpu.dma_semaphore, #tpu.memory_space<semaphore_mem>>) src(%arg14 : memref<2048xf32, #tpu.memory_space<vmem>>) dst(%dma_wait3A_29 : memref<2048xf32, #tpu.memory_space<vmem_shared>>)
    %dma_wait3A_30 = tpu.memref_slice %arg18[%add3A_13] : memref<102400xf32, #tpu.memory_space<vmem_shared>> -> memref<2048xf32, #tpu.memory_space<vmem_shared>>
    %dma_wait3A_31 = tpu.memref_slice %arg18[%add3A_13] : memref<102400xf32, #tpu.memory_space<vmem_shared>> -> memref<2048xf32, #tpu.memory_space<vmem_shared>>
    tpu.wait_dma2 semaphore(%arg25 : memref<!tpu.dma_semaphore, #tpu.memory_space<semaphore_mem>>) src(%arg14 : memref<2048xf32, #tpu.memory_space<vmem>>) dst(%dma_wait3A_31 : memref<2048xf32, #tpu.memory_space<vmem_shared>>)
    %dma_wait3A_32 = tpu.memref_slice %arg18[%add3A_17] : memref<102400xf32, #tpu.memory_space<vmem_shared>> -> memref<2048xf32, #tpu.memory_space<vmem_shared>>
    %dma_wait3A_33 = tpu.memref_slice %arg18[%add3A_17] : memref<102400xf32, #tpu.memory_space<vmem_shared>> -> memref<2048xf32, #tpu.memory_space<vmem_shared>>
    tpu.wait_dma2 semaphore(%arg26 : memref<!tpu.dma_semaphore, #tpu.memory_space<semaphore_mem>>) src(%arg14 : memref<2048xf32, #tpu.memory_space<vmem>>) dst(%dma_wait3A_33 : memref<2048xf32, #tpu.memory_space<vmem_shared>>)
    %dma_wait3A_34 = arith.constant 0 : i32
    %dma_wait3A_35 = tpu.memref_slice %arg14[%dma_wait3A_34] : memref<2048xf32, #tpu.memory_space<vmem>> -> memref<256xf32, #tpu.memory_space<vmem>>
    %dma_wait3A_36 = tpu.memref_slice %arg18[%sub3A_22] : memref<102400xf32, #tpu.memory_space<vmem_shared>> -> memref<256xf32, #tpu.memory_space<vmem_shared>>
    %dma_wait3A_37 = tpu.memref_slice %arg18[%sub3A_22] : memref<102400xf32, #tpu.memory_space<vmem_shared>> -> memref<256xf32, #tpu.memory_space<vmem_shared>>
    %dma_wait3A_38 = arith.constant 0 : i32
    %dma_wait3A_39 = tpu.memref_slice %arg14[%dma_wait3A_38] : memref<2048xf32, #tpu.memory_space<vmem>> -> memref<256xf32, #tpu.memory_space<vmem>>
    tpu.wait_dma2 semaphore(%arg27 : memref<!tpu.dma_semaphore, #tpu.memory_space<semaphore_mem>>) src(%dma_wait3A_39 : memref<256xf32, #tpu.memory_space<vmem>>) dst(%dma_wait3A_37 : memref<256xf32, #tpu.memory_space<vmem_shared>>)
    %mul3A_40 = arith.constant 97 : i32
    %mul3A_41 = arith.muli %add3A, %mul3A_40 : i32
    %min3A = arith.constant 21 : i32
    %min3A_42 = arith.minsi %add3A, %min3A : i32
    %add3A_43 = arith.addi %mul3A_41, %min3A_42 : i32
    %lt3A = arith.constant 21 : i32
    %lt3A_44 = arith.cmpi slt, %add3A, %lt3A : i32
    %jit3A = arith.constant 98 : i32
    %jit3A_45 = arith.constant 97 : i32
    %select_n3A = arith.select %lt3A_44, %jit3A, %jit3A_45 : i32
    %add3A_46 = arith.constant 0 : i32
    %add3A_47 = arith.addi %add3A_43, %add3A_46 : i32
    %mul3A_48 = arith.constant 2048 : i32
    %mul3A_49 = arith.muli %add3A_47, %mul3A_48 : i32
    %dma_start3A_50 = arith.constant 0 : i32
    %dma_start3A_51 = tpu.memref_slice %arg2[%dma_start3A_50, %mul3A_49] : memref<2x6400000xi32, #tpu.memory_space<hbm>> -> memref<1x2048xi32, #tpu.memory_space<hbm>>
    %dma_start3A_52 = tpu.memref_squeeze %dma_start3A_51 : memref<1x2048xi32, #tpu.memory_space<hbm>> -> memref<2048xi32, #tpu.memory_space<hbm>>
    %dma_start3A_53 = tpu.memref_slice %arg2[%dma_start3A_50, %mul3A_49] : memref<2x6400000xi32, #tpu.memory_space<hbm>> -> memref<1x2048xi32, #tpu.memory_space<hbm>>
    %dma_start3A_54 = tpu.memref_squeeze %dma_start3A_53 : memref<1x2048xi32, #tpu.memory_space<hbm>> -> memref<2048xi32, #tpu.memory_space<hbm>>
    tpu.enqueue_dma source(%dma_start3A_54 : memref<2048xi32, #tpu.memory_space<hbm>>) target(%arg6 : memref<2048xi32, #tpu.memory_space<vmem>>) target_semaphore(%arg20 : memref<!tpu.dma_semaphore, #tpu.memory_space<semaphore_mem>>)
    %dma_start3A_55 = arith.constant 1 : i32
    %dma_start3A_56 = tpu.memref_slice %arg2[%dma_start3A_55, %mul3A_49] : memref<2x6400000xi32, #tpu.memory_space<hbm>> -> memref<1x2048xi32, #tpu.memory_space<hbm>>
    %dma_start3A_57 = tpu.memref_squeeze %dma_start3A_56 : memref<1x2048xi32, #tpu.memory_space<hbm>> -> memref<2048xi32, #tpu.memory_space<hbm>>
    %dma_start3A_58 = tpu.memref_slice %arg2[%dma_start3A_55, %mul3A_49] : memref<2x6400000xi32, #tpu.memory_space<hbm>> -> memref<1x2048xi32, #tpu.memory_space<hbm>>
    %dma_start3A_59 = tpu.memref_squeeze %dma_start3A_58 : memref<1x2048xi32, #tpu.memory_space<hbm>> -> memref<2048xi32, #tpu.memory_space<hbm>>
    tpu.enqueue_dma source(%dma_start3A_59 : memref<2048xi32, #tpu.memory_space<hbm>>) target(%arg10 : memref<2048xi32, #tpu.memory_space<vmem>>) target_semaphore(%arg20 : memref<!tpu.dma_semaphore, #tpu.memory_space<semaphore_mem>>)
    %add3A_60 = arith.constant 1 : i32
    %add3A_61 = arith.addi %add3A_43, %add3A_60 : i32
    %mul3A_62 = arith.constant 2048 : i32
    %mul3A_63 = arith.muli %add3A_61, %mul3A_62 : i32
    %dma_start3A_64 = arith.constant 0 : i32
    %dma_start3A_65 = tpu.memref_slice %arg2[%dma_start3A_64, %mul3A_63] : memref<2x6400000xi32, #tpu.memory_space<hbm>> -> memref<1x2048xi32, #tpu.memory_space<hbm>>
    %dma_start3A_66 = tpu.memref_squeeze %dma_start3A_65 : memref<1x2048xi32, #tpu.memory_space<hbm>> -> memref<2048xi32, #tpu.memory_space<hbm>>
    %dma_start3A_67 = tpu.memref_slice %arg2[%dma_start3A_64, %mul3A_63] : memref<2x6400000xi32, #tpu.memory_space<hbm>> -> memref<1x2048xi32, #tpu.memory_space<hbm>>
    %dma_start3A_68 = tpu.memref_squeeze %dma_start3A_67 : memref<1x2048xi32, #tpu.memory_space<hbm>> -> memref<2048xi32, #tpu.memory_space<hbm>>
    tpu.enqueue_dma source(%dma_start3A_68 : memref<2048xi32, #tpu.memory_space<hbm>>) target(%arg7 : memref<2048xi32, #tpu.memory_space<vmem>>) target_semaphore(%arg21 : memref<!tpu.dma_semaphore, #tpu.memory_space<semaphore_mem>>)
    %dma_start3A_69 = arith.constant 1 : i32
    %dma_start3A_70 = tpu.memref_slice %arg2[%dma_start3A_69, %mul3A_63] : memref<2x6400000xi32, #tpu.memory_space<hbm>> -> memref<1x2048xi32, #tpu.memory_space<hbm>>
    %dma_start3A_71 = tpu.memref_squeeze %dma_start3A_70 : memref<1x2048xi32, #tpu.memory_space<hbm>> -> memref<2048xi32, #tpu.memory_space<hbm>>
    %dma_start3A_72 = tpu.memref_slice %arg2[%dma_start3A_69, %mul3A_63] : memref<2x6400000xi32, #tpu.memory_space<hbm>> -> memref<1x2048xi32, #tpu.memory_space<hbm>>
    %dma_start3A_73 = tpu.memref_squeeze %dma_start3A_72 : memref<1x2048xi32, #tpu.memory_space<hbm>> -> memref<2048xi32, #tpu.memory_space<hbm>>
    tpu.enqueue_dma source(%dma_start3A_73 : memref<2048xi32, #tpu.memory_space<hbm>>) target(%arg11 : memref<2048xi32, #tpu.memory_space<vmem>>) target_semaphore(%arg21 : memref<!tpu.dma_semaphore, #tpu.memory_space<semaphore_mem>>)
    %add3A_74 = arith.constant 2 : i32
    %add3A_75 = arith.addi %add3A_43, %add3A_74 : i32
    %mul3A_76 = arith.constant 2048 : i32
    %mul3A_77 = arith.muli %add3A_75, %mul3A_76 : i32
    %dma_start3A_78 = arith.constant 0 : i32
    %dma_start3A_79 = tpu.memref_slice %arg2[%dma_start3A_78, %mul3A_77] : memref<2x6400000xi32, #tpu.memory_space<hbm>> -> memref<1x2048xi32, #tpu.memory_space<hbm>>
    %dma_start3A_80 = tpu.memref_squeeze %dma_start3A_79 : memref<1x2048xi32, #tpu.memory_space<hbm>> -> memref<2048xi32, #tpu.memory_space<hbm>>
    %dma_start3A_81 = tpu.memref_slice %arg2[%dma_start3A_78, %mul3A_77] : memref<2x6400000xi32, #tpu.memory_space<hbm>> -> memref<1x2048xi32, #tpu.memory_space<hbm>>
    %dma_start3A_82 = tpu.memref_squeeze %dma_start3A_81 : memref<1x2048xi32, #tpu.memory_space<hbm>> -> memref<2048xi32, #tpu.memory_space<hbm>>
    tpu.enqueue_dma source(%dma_start3A_82 : memref<2048xi32, #tpu.memory_space<hbm>>) target(%arg8 : memref<2048xi32, #tpu.memory_space<vmem>>) target_semaphore(%arg22 : memref<!tpu.dma_semaphore, #tpu.memory_space<semaphore_mem>>)
    %dma_start3A_83 = arith.constant 1 : i32
    %dma_start3A_84 = tpu.memref_slice %arg2[%dma_start3A_83, %mul3A_77] : memref<2x6400000xi32, #tpu.memory_space<hbm>> -> memref<1x2048xi32, #tpu.memory_space<hbm>>
    %dma_start3A_85 = tpu.memref_squeeze %dma_start3A_84 : memref<1x2048xi32, #tpu.memory_space<hbm>> -> memref<2048xi32, #tpu.memory_space<hbm>>
    %dma_start3A_86 = tpu.memref_slice %arg2[%dma_start3A_83, %mul3A_77] : memref<2x6400000xi32, #tpu.memory_space<hbm>> -> memref<1x2048xi32, #tpu.memory_space<hbm>>
    %dma_start3A_87 = tpu.memref_squeeze %dma_start3A_86 : memref<1x2048xi32, #tpu.memory_space<hbm>> -> memref<2048xi32, #tpu.memory_space<hbm>>
    tpu.enqueue_dma source(%dma_start3A_87 : memref<2048xi32, #tpu.memory_space<hbm>>) target(%arg12 : memref<2048xi32, #tpu.memory_space<vmem>>) target_semaphore(%arg22 : memref<!tpu.dma_semaphore, #tpu.memory_space<semaphore_mem>>)
    tpu.wait_dma2 semaphore(%arg19 : memref<!tpu.dma_semaphore, #tpu.memory_space<semaphore_mem>>) src(%arg3 : memref<100000xf32, #tpu.memory_space<hbm>>) dst(%arg5 : memref<100000xf32, #tpu.memory_space<vmem>>)
    %barrier3A = arith.constant 0 : index
    tpu.barrier barrier_id(%barrier3A)
    %scan3A_88 = arith.constant 0 : i32
    %scan3A_89 = arith.constant 0 : i32
    %scan3A_90 = arith.constant 24 : i32
    %scan3A_91 = arith.addi %scan3A_89, %scan3A_90 : i32
    %scan3A_92 = arith.constant 1 : i32
    %scan3A_93 = scf.for %scan3A_205 = %scan3A_89 to %scan3A_91 step %scan3A_92 iter_args(%scan3A_206 = %scan3A_88) -> (i32)  : i32 {
      %mul3A_207 = arith.constant 4 : i32
      %mul3A_208 = arith.muli %mul3A_207, %scan3A_205 : i32
      %add3A_209 = arith.constant 0 : i32
      %add3A_210 = arith.addi %mul3A_208, %add3A_209 : i32
      %add3A_211 = arith.addi %add3A_43, %add3A_210 : i32
      %mul3A_212 = arith.constant 2048 : i32
      %mul3A_213 = arith.muli %add3A_211, %mul3A_212 : i32
      %dma_wait3A_214 = arith.constant 0 : i32
      %dma_wait3A_215 = tpu.memref_slice %arg2[%dma_wait3A_214, %mul3A_213] : memref<2x6400000xi32, #tpu.memory_space<hbm>> -> memref<1x2048xi32, #tpu.memory_space<hbm>>
      %dma_wait3A_216 = tpu.memref_squeeze %dma_wait3A_215 : memref<1x2048xi32, #tpu.memory_space<hbm>> -> memref<2048xi32, #tpu.memory_space<hbm>>
      %dma_wait3A_217 = tpu.memref_slice %arg2[%dma_wait3A_214, %mul3A_213] : memref<2x6400000xi32, #tpu.memory_space<hbm>> -> memref<1x2048xi32, #tpu.memory_space<hbm>>
      %dma_wait3A_218 = tpu.memref_squeeze %dma_wait3A_217 : memref<1x2048xi32, #tpu.memory_space<hbm>> -> memref<2048xi32, #tpu.memory_space<hbm>>
      tpu.wait_dma2 semaphore(%arg20 : memref<!tpu.dma_semaphore, #tpu.memory_space<semaphore_mem>>) src(%dma_wait3A_218 : memref<2048xi32, #tpu.memory_space<hbm>>) dst(%arg6 : memref<2048xi32, #tpu.memory_space<vmem>>)
      %dma_wait3A_219 = arith.constant 1 : i32
      %dma_wait3A_220 = tpu.memref_slice %arg2[%dma_wait3A_219, %mul3A_213] : memref<2x6400000xi32, #tpu.memory_space<hbm>> -> memref<1x2048xi32, #tpu.memory_space<hbm>>
      %dma_wait3A_221 = tpu.memref_squeeze %dma_wait3A_220 : memref<1x2048xi32, #tpu.memory_space<hbm>> -> memref<2048xi32, #tpu.memory_space<hbm>>
      %dma_wait3A_222 = tpu.memref_slice %arg2[%dma_wait3A_219, %mul3A_213] : memref<2x6400000xi32, #tpu.memory_space<hbm>> -> memref<1x2048xi32, #tpu.memory_space<hbm>>
      %dma_wait3A_223 = tpu.memref_squeeze %dma_wait3A_222 : memref<1x2048xi32, #tpu.memory_space<hbm>> -> memref<2048xi32, #tpu.memory_space<hbm>>
      tpu.wait_dma2 semaphore(%arg20 : memref<!tpu.dma_semaphore, #tpu.memory_space<semaphore_mem>>) src(%dma_wait3A_223 : memref<2048xi32, #tpu.memory_space<hbm>>) dst(%arg10 : memref<2048xi32, #tpu.memory_space<vmem>>)
      %parallel_loop3A_224 = arith.constant 0 : i32
      %parallel_loop3A_225 = arith.constant 128 : i32
      %parallel_loop3A_226 = arith.constant 1 : i32
      scf.for %parallel_loop3A_324 = %parallel_loop3A_224 to %parallel_loop3A_225 step %parallel_loop3A_226  : i32 {
        %parallel_loop3A_325 = arith.constant 16 : i32
        %parallel_loop3A_326 = arith.muli %parallel_loop3A_324, %parallel_loop3A_325 : i32
        %parallel_loop3A_327 = arith.index_cast %parallel_loop3A_326 : i32 to index
        %parallel_loop3A_328 = tpu.vector_load %arg6[%parallel_loop3A_327] {strides = array<i32>} : memref<2048xi32, #tpu.memory_space<vmem>>, vector<16xi32>,
        %parallel_loop3A_329 = tpu.vector_load_idx %arg5[%parallel_loop3A_328] : memref<100000xf32, #tpu.memory_space<vmem>>[vector<16xi32>], vector<16xf32>,
        %parallel_loop3A_330 = arith.index_cast %parallel_loop3A_326 : i32 to index
        %parallel_loop3A_331 = tpu.vector_load %arg14[%parallel_loop3A_330] {strides = array<i32>} : memref<2048xf32, #tpu.memory_space<vmem>>, vector<16xf32>,
        tpu.vector_store %arg14[%parallel_loop3A_330], %parallel_loop3A_329 {strides = array<i32>} : memref<2048xf32, #tpu.memory_space<vmem>>, vector<16xf32>,
      } {sc.loop_unroll_factor = 8 : i64, sc.parallel_access}
      %dma_start3A_227 = arith.constant 0 : i32
      %dma_start3A_228 = tpu.memref_slice %arg18[%dma_start3A_227] : memref<102400xf32, #tpu.memory_space<vmem_shared>> -> memref<102400xf32, #tpu.memory_space<vmem_shared>>
      tpu.enqueue_indirect_dma source(%arg14 : memref<2048xf32, #tpu.memory_space<vmem>>) target(%dma_start3A_228 : memref<102400xf32, #tpu.memory_space<vmem_shared>>) offsets(%arg10 : memref<2048xi32, #tpu.memory_space<vmem>>) semaphore(%arg24 : memref<!tpu.dma_semaphore, #tpu.memory_space<semaphore_mem>>) {add = true}
      %gt3A = arith.constant 0 : i32
      %gt3A_229 = arith.cmpi sgt, %scan3A_205, %gt3A : i32
      %convert_element_type3A_230 = arith.extui %gt3A_229 : i1 to i32
      %cond3A_231 = arith.constant 0 : i32
      %cond3A_232 = arith.cmpi ne, %convert_element_type3A_230, %cond3A_231 : i32
      scf.if %cond3A_232 {
        %dma_wait3A_324 = arith.constant 0 : i32
        %dma_wait3A_325 = tpu.memref_slice %arg18[%dma_wait3A_324] : memref<102400xf32, #tpu.memory_space<vmem_shared>> -> memref<102400xf32, #tpu.memory_space<vmem_shared>>
        tpu.wait_indirect_dma semaphore(%arg27 : memref<!tpu.dma_semaphore, #tpu.memory_space<semaphore_mem>>) src(%arg17 : memref<2048xf32, #tpu.memory_space<vmem>>) dst(%dma_wait3A_325 : memref<102400xf32, #tpu.memory_space<vmem_shared>>)
      } else {
      }
      %add3A_233 = arith.constant 3 : i32
      %add3A_234 = arith.addi %add3A_210, %add3A_233 : i32
      %lt3A_235 = arith.cmpi slt, %add3A_234, %select_n3A : i32
      %convert_element_type3A_236 = arith.extui %lt3A_235 : i1 to i32
      %cond3A_237 = arith.constant 0 : i32
      %cond3A_238 = arith.cmpi ne, %convert_element_type3A_236, %cond3A_237 : i32
      scf.if %cond3A_238 {
        %add3A_324 = arith.constant 3 : i32
        %add3A_325 = arith.addi %add3A_211, %add3A_324 : i32
        %mul3A_326 = arith.constant 2048 : i32
        %mul3A_327 = arith.muli %add3A_325, %mul3A_326 : i32
        %dma_start3A_328 = arith.constant 0 : i32
        %dma_start3A_329 = tpu.memref_slice %arg2[%dma_start3A_328, %mul3A_327] : memref<2x6400000xi32, #tpu.memory_space<hbm>> -> memref<1x2048xi32, #tpu.memory_space<hbm>>
        %dma_start3A_330 = tpu.memref_squeeze %dma_start3A_329 : memref<1x2048xi32, #tpu.memory_space<hbm>> -> memref<2048xi32, #tpu.memory_space<hbm>>
        %dma_start3A_331 = tpu.memref_slice %arg2[%dma_start3A_328, %mul3A_327] : memref<2x6400000xi32, #tpu.memory_space<hbm>> -> memref<1x2048xi32, #tpu.memory_space<hbm>>
        %dma_start3A_332 = tpu.memref_squeeze %dma_start3A_331 : memref<1x2048xi32, #tpu.memory_space<hbm>> -> memref<2048xi32, #tpu.memory_space<hbm>>
        tpu.enqueue_dma source(%dma_start3A_332 : memref<2048xi32, #tpu.memory_space<hbm>>) target(%arg9 : memref<2048xi32, #tpu.memory_space<vmem>>) target_semaphore(%arg23 : memref<!tpu.dma_semaphore, #tpu.memory_space<semaphore_mem>>)
        %dma_start3A_333 = arith.constant 1 : i32
        %dma_start3A_334 = tpu.memref_slice %arg2[%dma_start3A_333, %mul3A_327] : memref<2x6400000xi32, #tpu.memory_space<hbm>> -> memref<1x2048xi32, #tpu.memory_space<hbm>>
        %dma_start3A_335 = tpu.memref_squeeze %dma_start3A_334 : memref<1x2048xi32, #tpu.memory_space<hbm>> -> memref<2048xi32, #tpu.memory_space<hbm>>
        %dma_start3A_336 = tpu.memref_slice %arg2[%dma_start3A_333, %mul3A_327] : memref<2x6400000xi32, #tpu.memory_space<hbm>> -> memref<1x2048xi32, #tpu.memory_space<hbm>>
        %dma_start3A_337 = tpu.memref_squeeze %dma_start3A_336 : memref<1x2048xi32, #tpu.memory_space<hbm>> -> memref<2048xi32, #tpu.memory_space<hbm>>
        tpu.enqueue_dma source(%dma_start3A_337 : memref<2048xi32, #tpu.memory_space<hbm>>) target(%arg13 : memref<2048xi32, #tpu.memory_space<vmem>>) target_semaphore(%arg23 : memref<!tpu.dma_semaphore, #tpu.memory_space<semaphore_mem>>)
      } else {
      }
      %add3A_239 = arith.constant 1 : i32
      %add3A_240 = arith.addi %mul3A_208, %add3A_239 : i32
      %add3A_241 = arith.addi %add3A_43, %add3A_240 : i32
      %mul3A_242 = arith.constant 2048 : i32
      %mul3A_243 = arith.muli %add3A_241, %mul3A_242 : i32
      %dma_wait3A_244 = arith.constant 0 : i32
      %dma_wait3A_245 = tpu.memref_slice %arg2[%dma_wait3A_244, %mul3A_243] : memref<2x6400000xi32, #tpu.memory_space<hbm>> -> memref<1x2048xi32, #tpu.memory_space<hbm>>
      %dma_wait3A_246 = tpu.memref_squeeze %dma_wait3A_245 : memref<1x2048xi32, #tpu.memory_space<hbm>> -> memref<2048xi32, #tpu.memory_space<hbm>>
      %dma_wait3A_247 = tpu.memref_slice %arg2[%dma_wait3A_244, %mul3A_243] : memref<2x6400000xi32, #tpu.memory_space<hbm>> -> memref<1x2048xi32, #tpu.memory_space<hbm>>
      %dma_wait3A_248 = tpu.memref_squeeze %dma_wait3A_247 : memref<1x2048xi32, #tpu.memory_space<hbm>> -> memref<2048xi32, #tpu.memory_space<hbm>>
      tpu.wait_dma2 semaphore(%arg21 : memref<!tpu.dma_semaphore, #tpu.memory_space<semaphore_mem>>) src(%dma_wait3A_248 : memref<2048xi32, #tpu.memory_space<hbm>>) dst(%arg7 : memref<2048xi32, #tpu.memory_space<vmem>>)
      %dma_wait3A_249 = arith.constant 1 : i32
      %dma_wait3A_250 = tpu.memref_slice %arg2[%dma_wait3A_249, %mul3A_243] : memref<2x6400000xi32, #tpu.memory_space<hbm>> -> memref<1x2048xi32, #tpu.memory_space<hbm>>
      %dma_wait3A_251 = tpu.memref_squeeze %dma_wait3A_250 : memref<1x2048xi32, #tpu.memory_space<hbm>> -> memref<2048xi32, #tpu.memory_space<hbm>>
      %dma_wait3A_252 = tpu.memref_slice %arg2[%dma_wait3A_249, %mul3A_243] : memref<2x6400000xi32, #tpu.memory_space<hbm>> -> memref<1x2048xi32, #tpu.memory_space<hbm>>
      %dma_wait3A_253 = tpu.memref_squeeze %dma_wait3A_252 : memref<1x2048xi32, #tpu.memory_space<hbm>> -> memref<2048xi32, #tpu.memory_space<hbm>>
      tpu.wait_dma2 semaphore(%arg21 : memref<!tpu.dma_semaphore, #tpu.memory_space<semaphore_mem>>) src(%dma_wait3A_253 : memref<2048xi32, #tpu.memory_space<hbm>>) dst(%arg11 : memref<2048xi32, #tpu.memory_space<vmem>>)
      %parallel_loop3A_254 = arith.constant 0 : i32
      %parallel_loop3A_255 = arith.constant 128 : i32
      %parallel_loop3A_256 = arith.constant 1 : i32
      scf.for %parallel_loop3A_324 = %parallel_loop3A_254 to %parallel_loop3A_255 step %parallel_loop3A_256  : i32 {
        %parallel_loop3A_325 = arith.constant 16 : i32
        %parallel_loop3A_326 = arith.muli %parallel_loop3A_324, %parallel_loop3A_325 : i32
        %parallel_loop3A_327 = arith.index_cast %parallel_loop3A_326 : i32 to index
        %parallel_loop3A_328 = tpu.vector_load %arg7[%parallel_loop3A_327] {strides = array<i32>} : memref<2048xi32, #tpu.memory_space<vmem>>, vector<16xi32>,
        %parallel_loop3A_329 = tpu.vector_load_idx %arg5[%parallel_loop3A_328] : memref<100000xf32, #tpu.memory_space<vmem>>[vector<16xi32>], vector<16xf32>,
        %parallel_loop3A_330 = arith.index_cast %parallel_loop3A_326 : i32 to index
        %parallel_loop3A_331 = tpu.vector_load %arg15[%parallel_loop3A_330] {strides = array<i32>} : memref<2048xf32, #tpu.memory_space<vmem>>, vector<16xf32>,
        tpu.vector_store %arg15[%parallel_loop3A_330], %parallel_loop3A_329 {strides = array<i32>} : memref<2048xf32, #tpu.memory_space<vmem>>, vector<16xf32>,
      } {sc.loop_unroll_factor = 8 : i64, sc.parallel_access}
      %dma_start3A_257 = arith.constant 0 : i32
      %dma_start3A_258 = tpu.memref_slice %arg18[%dma_start3A_257] : memref<102400xf32, #tpu.memory_space<vmem_shared>> -> memref<102400xf32, #tpu.memory_space<vmem_shared>>
      tpu.enqueue_indirect_dma source(%arg15 : memref<2048xf32, #tpu.memory_space<vmem>>) target(%dma_start3A_258 : memref<102400xf32, #tpu.memory_space<vmem_shared>>) offsets(%arg11 : memref<2048xi32, #tpu.memory_space<vmem>>) semaphore(%arg25 : memref<!tpu.dma_semaphore, #tpu.memory_space<semaphore_mem>>) {add = true}
      %dma_wait3A_259 = arith.constant 0 : i32
      %dma_wait3A_260 = tpu.memref_slice %arg18[%dma_wait3A_259] : memref<102400xf32, #tpu.memory_space<vmem_shared>> -> memref<102400xf32, #tpu.memory_space<vmem_shared>>
      tpu.wait_indirect_dma semaphore(%arg24 : memref<!tpu.dma_semaphore, #tpu.memory_space<semaphore_mem>>) src(%arg14 : memref<2048xf32, #tpu.memory_space<vmem>>) dst(%dma_wait3A_260 : memref<102400xf32, #tpu.memory_space<vmem_shared>>)
      %add3A_261 = arith.constant 3 : i32
      %add3A_262 = arith.addi %add3A_240, %add3A_261 : i32
      %lt3A_263 = arith.cmpi slt, %add3A_262, %select_n3A : i32
      %convert_element_type3A_264 = arith.extui %lt3A_263 : i1 to i32
      %cond3A_265 = arith.constant 0 : i32
      %cond3A_266 = arith.cmpi ne, %convert_element_type3A_264, %cond3A_265 : i32
      scf.if %cond3A_266 {
        %add3A_324 = arith.constant 3 : i32
        %add3A_325 = arith.addi %add3A_241, %add3A_324 : i32
        %mul3A_326 = arith.constant 2048 : i32
        %mul3A_327 = arith.muli %add3A_325, %mul3A_326 : i32
        %dma_start3A_328 = arith.constant 0 : i32
        %dma_start3A_329 = tpu.memref_slice %arg2[%dma_start3A_328, %mul3A_327] : memref<2x6400000xi32, #tpu.memory_space<hbm>> -> memref<1x2048xi32, #tpu.memory_space<hbm>>
        %dma_start3A_330 = tpu.memref_squeeze %dma_start3A_329 : memref<1x2048xi32, #tpu.memory_space<hbm>> -> memref<2048xi32, #tpu.memory_space<hbm>>
        %dma_start3A_331 = tpu.memref_slice %arg2[%dma_start3A_328, %mul3A_327] : memref<2x6400000xi32, #tpu.memory_space<hbm>> -> memref<1x2048xi32, #tpu.memory_space<hbm>>
        %dma_start3A_332 = tpu.memref_squeeze %dma_start3A_331 : memref<1x2048xi32, #tpu.memory_space<hbm>> -> memref<2048xi32, #tpu.memory_space<hbm>>
        tpu.enqueue_dma source(%dma_start3A_332 : memref<2048xi32, #tpu.memory_space<hbm>>) target(%arg6 : memref<2048xi32, #tpu.memory_space<vmem>>) target_semaphore(%arg20 : memref<!tpu.dma_semaphore, #tpu.memory_space<semaphore_mem>>)
        %dma_start3A_333 = arith.constant 1 : i32
        %dma_start3A_334 = tpu.memref_slice %arg2[%dma_start3A_333, %mul3A_327] : memref<2x6400000xi32, #tpu.memory_space<hbm>> -> memref<1x2048xi32, #tpu.memory_space<hbm>>
        %dma_start3A_335 = tpu.memref_squeeze %dma_start3A_334 : memref<1x2048xi32, #tpu.memory_space<hbm>> -> memref<2048xi32, #tpu.memory_space<hbm>>
        %dma_start3A_336 = tpu.memref_slice %arg2[%dma_start3A_333, %mul3A_327] : memref<2x6400000xi32, #tpu.memory_space<hbm>> -> memref<1x2048xi32, #tpu.memory_space<hbm>>
        %dma_start3A_337 = tpu.memref_squeeze %dma_start3A_336 : memref<1x2048xi32, #tpu.memory_space<hbm>> -> memref<2048xi32, #tpu.memory_space<hbm>>
        tpu.enqueue_dma source(%dma_start3A_337 : memref<2048xi32, #tpu.memory_space<hbm>>) target(%arg10 : memref<2048xi32, #tpu.memory_space<vmem>>) target_semaphore(%arg20 : memref<!tpu.dma_semaphore, #tpu.memory_space<semaphore_mem>>)
      } else {
      }
      %add3A_267 = arith.constant 2 : i32
      %add3A_268 = arith.addi %mul3A_208, %add3A_267 : i32
      %add3A_269 = arith.addi %add3A_43, %add3A_268 : i32
      %mul3A_270 = arith.constant 2048 : i32
      %mul3A_271 = arith.muli %add3A_269, %mul3A_270 : i32
      %dma_wait3A_272 = arith.constant 0 : i32
      %dma_wait3A_273 = tpu.memref_slice %arg2[%dma_wait3A_272, %mul3A_271] : memref<2x6400000xi32, #tpu.memory_space<hbm>> -> memref<1x2048xi32, #tpu.memory_space<hbm>>
      %dma_wait3A_274 = tpu.memref_squeeze %dma_wait3A_273 : memref<1x2048xi32, #tpu.memory_space<hbm>> -> memref<2048xi32, #tpu.memory_space<hbm>>
      %dma_wait3A_275 = tpu.memref_slice %arg2[%dma_wait3A_272, %mul3A_271] : memref<2x6400000xi32, #tpu.memory_space<hbm>> -> memref<1x2048xi32, #tpu.memory_space<hbm>>
      %dma_wait3A_276 = tpu.memref_squeeze %dma_wait3A_275 : memref<1x2048xi32, #tpu.memory_space<hbm>> -> memref<2048xi32, #tpu.memory_space<hbm>>
      tpu.wait_dma2 semaphore(%arg22 : memref<!tpu.dma_semaphore, #tpu.memory_space<semaphore_mem>>) src(%dma_wait3A_276 : memref<2048xi32, #tpu.memory_space<hbm>>) dst(%arg8 : memref<2048xi32, #tpu.memory_space<vmem>>)
      %dma_wait3A_277 = arith.constant 1 : i32
      %dma_wait3A_278 = tpu.memref_slice %arg2[%dma_wait3A_277, %mul3A_271] : memref<2x6400000xi32, #tpu.memory_space<hbm>> -> memref<1x2048xi32, #tpu.memory_space<hbm>>
      %dma_wait3A_279 = tpu.memref_squeeze %dma_wait3A_278 : memref<1x2048xi32, #tpu.memory_space<hbm>> -> memref<2048xi32, #tpu.memory_space<hbm>>
      %dma_wait3A_280 = tpu.memref_slice %arg2[%dma_wait3A_277, %mul3A_271] : memref<2x6400000xi32, #tpu.memory_space<hbm>> -> memref<1x2048xi32, #tpu.memory_space<hbm>>
      %dma_wait3A_281 = tpu.memref_squeeze %dma_wait3A_280 : memref<1x2048xi32, #tpu.memory_space<hbm>> -> memref<2048xi32, #tpu.memory_space<hbm>>
      tpu.wait_dma2 semaphore(%arg22 : memref<!tpu.dma_semaphore, #tpu.memory_space<semaphore_mem>>) src(%dma_wait3A_281 : memref<2048xi32, #tpu.memory_space<hbm>>) dst(%arg12 : memref<2048xi32, #tpu.memory_space<vmem>>)
      %parallel_loop3A_282 = arith.constant 0 : i32
      %parallel_loop3A_283 = arith.constant 128 : i32
      %parallel_loop3A_284 = arith.constant 1 : i32
      scf.for %parallel_loop3A_324 = %parallel_loop3A_282 to %parallel_loop3A_283 step %parallel_loop3A_284  : i32 {
        %parallel_loop3A_325 = arith.constant 16 : i32
        %parallel_loop3A_326 = arith.muli %parallel_loop3A_324, %parallel_loop3A_325 : i32
        %parallel_loop3A_327 = arith.index_cast %parallel_loop3A_326 : i32 to index
        %parallel_loop3A_328 = tpu.vector_load %arg8[%parallel_loop3A_327] {strides = array<i32>} : memref<2048xi32, #tpu.memory_space<vmem>>, vector<16xi32>,
        %parallel_loop3A_329 = tpu.vector_load_idx %arg5[%parallel_loop3A_328] : memref<100000xf32, #tpu.memory_space<vmem>>[vector<16xi32>], vector<16xf32>,
        %parallel_loop3A_330 = arith.index_cast %parallel_loop3A_326 : i32 to index
        %parallel_loop3A_331 = tpu.vector_load %arg16[%parallel_loop3A_330] {strides = array<i32>} : memref<2048xf32, #tpu.memory_space<vmem>>, vector<16xf32>,
        tpu.vector_store %arg16[%parallel_loop3A_330], %parallel_loop3A_329 {strides = array<i32>} : memref<2048xf32, #tpu.memory_space<vmem>>, vector<16xf32>,
      } {sc.loop_unroll_factor = 8 : i64, sc.parallel_access}
      %dma_start3A_285 = arith.constant 0 : i32
      %dma_start3A_286 = tpu.memref_slice %arg18[%dma_start3A_285] : memref<102400xf32, #tpu.memory_space<vmem_shared>> -> memref<102400xf32, #tpu.memory_space<vmem_shared>>
      tpu.enqueue_indirect_dma source(%arg16 : memref<2048xf32, #tpu.memory_space<vmem>>) target(%dma_start3A_286 : memref<102400xf32, #tpu.memory_space<vmem_shared>>) offsets(%arg12 : memref<2048xi32, #tpu.memory_space<vmem>>) semaphore(%arg26 : memref<!tpu.dma_semaphore, #tpu.memory_space<semaphore_mem>>) {add = true}
      %dma_wait3A_287 = arith.constant 0 : i32
      %dma_wait3A_288 = tpu.memref_slice %arg18[%dma_wait3A_287] : memref<102400xf32, #tpu.memory_space<vmem_shared>> -> memref<102400xf32, #tpu.memory_space<vmem_shared>>
      tpu.wait_indirect_dma semaphore(%arg25 : memref<!tpu.dma_semaphore, #tpu.memory_space<semaphore_mem>>) src(%arg15 : memref<2048xf32, #tpu.memory_space<vmem>>) dst(%dma_wait3A_288 : memref<102400xf32, #tpu.memory_space<vmem_shared>>)
      %add3A_289 = arith.constant 3 : i32
      %add3A_290 = arith.addi %add3A_268, %add3A_289 : i32
      %lt3A_291 = arith.cmpi slt, %add3A_290, %select_n3A : i32
      %convert_element_type3A_292 = arith.extui %lt3A_291 : i1 to i32
      %cond3A_293 = arith.constant 0 : i32
      %cond3A_294 = arith.cmpi ne, %convert_element_type3A_292, %cond3A_293 : i32
      scf.if %cond3A_294 {
        %add3A_324 = arith.constant 3 : i32
        %add3A_325 = arith.addi %add3A_269, %add3A_324 : i32
        %mul3A_326 = arith.constant 2048 : i32
        %mul3A_327 = arith.muli %add3A_325, %mul3A_326 : i32
        %dma_start3A_328 = arith.constant 0 : i32
        %dma_start3A_329 = tpu.memref_slice %arg2[%dma_start3A_328, %mul3A_327] : memref<2x6400000xi32, #tpu.memory_space<hbm>> -> memref<1x2048xi32, #tpu.memory_space<hbm>>
        %dma_start3A_330 = tpu.memref_squeeze %dma_start3A_329 : memref<1x2048xi32, #tpu.memory_space<hbm>> -> memref<2048xi32, #tpu.memory_space<hbm>>
        %dma_start3A_331 = tpu.memref_slice %arg2[%dma_start3A_328, %mul3A_327] : memref<2x6400000xi32, #tpu.memory_space<hbm>> -> memref<1x2048xi32, #tpu.memory_space<hbm>>
        %dma_start3A_332 = tpu.memref_squeeze %dma_start3A_331 : memref<1x2048xi32, #tpu.memory_space<hbm>> -> memref<2048xi32, #tpu.memory_space<hbm>>
        tpu.enqueue_dma source(%dma_start3A_332 : memref<2048xi32, #tpu.memory_space<hbm>>) target(%arg7 : memref<2048xi32, #tpu.memory_space<vmem>>) target_semaphore(%arg21 : memref<!tpu.dma_semaphore, #tpu.memory_space<semaphore_mem>>)
        %dma_start3A_333 = arith.constant 1 : i32
        %dma_start3A_334 = tpu.memref_slice %arg2[%dma_start3A_333, %mul3A_327] : memref<2x6400000xi32, #tpu.memory_space<hbm>> -> memref<1x2048xi32, #tpu.memory_space<hbm>>
        %dma_start3A_335 = tpu.memref_squeeze %dma_start3A_334 : memref<1x2048xi32, #tpu.memory_space<hbm>> -> memref<2048xi32, #tpu.memory_space<hbm>>
        %dma_start3A_336 = tpu.memref_slice %arg2[%dma_start3A_333, %mul3A_327] : memref<2x6400000xi32, #tpu.memory_space<hbm>> -> memref<1x2048xi32, #tpu.memory_space<hbm>>
        %dma_start3A_337 = tpu.memref_squeeze %dma_start3A_336 : memref<1x2048xi32, #tpu.memory_space<hbm>> -> memref<2048xi32, #tpu.memory_space<hbm>>
        tpu.enqueue_dma source(%dma_start3A_337 : memref<2048xi32, #tpu.memory_space<hbm>>) target(%arg11 : memref<2048xi32, #tpu.memory_space<vmem>>) target_semaphore(%arg21 : memref<!tpu.dma_semaphore, #tpu.memory_space<semaphore_mem>>)
      } else {
      }
      %add3A_295 = arith.constant 3 : i32
      %add3A_296 = arith.addi %mul3A_208, %add3A_295 : i32
      %add3A_297 = arith.addi %add3A_43, %add3A_296 : i32
      %mul3A_298 = arith.constant 2048 : i32
      %mul3A_299 = arith.muli %add3A_297, %mul3A_298 : i32
      %dma_wait3A_300 = arith.constant 0 : i32
      %dma_wait3A_301 = tpu.memref_slice %arg2[%dma_wait3A_300, %mul3A_299] : memref<2x6400000xi32, #tpu.memory_space<hbm>> -> memref<1x2048xi32, #tpu.memory_space<hbm>>
      %dma_wait3A_302 = tpu.memref_squeeze %dma_wait3A_301 : memref<1x2048xi32, #tpu.memory_space<hbm>> -> memref<2048xi32, #tpu.memory_space<hbm>>
      %dma_wait3A_303 = tpu.memref_slice %arg2[%dma_wait3A_300, %mul3A_299] : memref<2x6400000xi32, #tpu.memory_space<hbm>> -> memref<1x2048xi32, #tpu.memory_space<hbm>>
      %dma_wait3A_304 = tpu.memref_squeeze %dma_wait3A_303 : memref<1x2048xi32, #tpu.memory_space<hbm>> -> memref<2048xi32, #tpu.memory_space<hbm>>
      tpu.wait_dma2 semaphore(%arg23 : memref<!tpu.dma_semaphore, #tpu.memory_space<semaphore_mem>>) src(%dma_wait3A_304 : memref<2048xi32, #tpu.memory_space<hbm>>) dst(%arg9 : memref<2048xi32, #tpu.memory_space<vmem>>)
      %dma_wait3A_305 = arith.constant 1 : i32
      %dma_wait3A_306 = tpu.memref_slice %arg2[%dma_wait3A_305, %mul3A_299] : memref<2x6400000xi32, #tpu.memory_space<hbm>> -> memref<1x2048xi32, #tpu.memory_space<hbm>>
      %dma_wait3A_307 = tpu.memref_squeeze %dma_wait3A_306 : memref<1x2048xi32, #tpu.memory_space<hbm>> -> memref<2048xi32, #tpu.memory_space<hbm>>
      %dma_wait3A_308 = tpu.memref_slice %arg2[%dma_wait3A_305, %mul3A_299] : memref<2x6400000xi32, #tpu.memory_space<hbm>> -> memref<1x2048xi32, #tpu.memory_space<hbm>>
      %dma_wait3A_309 = tpu.memref_squeeze %dma_wait3A_308 : memref<1x2048xi32, #tpu.memory_space<hbm>> -> memref<2048xi32, #tpu.memory_space<hbm>>
      tpu.wait_dma2 semaphore(%arg23 : memref<!tpu.dma_semaphore, #tpu.memory_space<semaphore_mem>>) src(%dma_wait3A_309 : memref<2048xi32, #tpu.memory_space<hbm>>) dst(%arg13 : memref<2048xi32, #tpu.memory_space<vmem>>)
      %parallel_loop3A_310 = arith.constant 0 : i32
      %parallel_loop3A_311 = arith.constant 128 : i32
      %parallel_loop3A_312 = arith.constant 1 : i32
      scf.for %parallel_loop3A_324 = %parallel_loop3A_310 to %parallel_loop3A_311 step %parallel_loop3A_312  : i32 {
        %parallel_loop3A_325 = arith.constant 16 : i32
        %parallel_loop3A_326 = arith.muli %parallel_loop3A_324, %parallel_loop3A_325 : i32
        %parallel_loop3A_327 = arith.index_cast %parallel_loop3A_326 : i32 to index
        %parallel_loop3A_328 = tpu.vector_load %arg9[%parallel_loop3A_327] {strides = array<i32>} : memref<2048xi32, #tpu.memory_space<vmem>>, vector<16xi32>,
        %parallel_loop3A_329 = tpu.vector_load_idx %arg5[%parallel_loop3A_328] : memref<100000xf32, #tpu.memory_space<vmem>>[vector<16xi32>], vector<16xf32>,
        %parallel_loop3A_330 = arith.index_cast %parallel_loop3A_326 : i32 to index
        %parallel_loop3A_331 = tpu.vector_load %arg17[%parallel_loop3A_330] {strides = array<i32>} : memref<2048xf32, #tpu.memory_space<vmem>>, vector<16xf32>,
        tpu.vector_store %arg17[%parallel_loop3A_330], %parallel_loop3A_329 {strides = array<i32>} : memref<2048xf32, #tpu.memory_space<vmem>>, vector<16xf32>,
      } {sc.loop_unroll_factor = 8 : i64, sc.parallel_access}
      %dma_start3A_313 = arith.constant 0 : i32
      %dma_start3A_314 = tpu.memref_slice %arg18[%dma_start3A_313] : memref<102400xf32, #tpu.memory_space<vmem_shared>> -> memref<102400xf32, #tpu.memory_space<vmem_shared>>
      tpu.enqueue_indirect_dma source(%arg17 : memref<2048xf32, #tpu.memory_space<vmem>>) target(%dma_start3A_314 : memref<102400xf32, #tpu.memory_space<vmem_shared>>) offsets(%arg13 : memref<2048xi32, #tpu.memory_space<vmem>>) semaphore(%arg27 : memref<!tpu.dma_semaphore, #tpu.memory_space<semaphore_mem>>) {add = true}
      %dma_wait3A_315 = arith.constant 0 : i32
      %dma_wait3A_316 = tpu.memref_slice %arg18[%dma_wait3A_315] : memref<102400xf32, #tpu.memory_space<vmem_shared>> -> memref<102400xf32, #tpu.memory_space<vmem_shared>>
      tpu.wait_indirect_dma semaphore(%arg26 : memref<!tpu.dma_semaphore, #tpu.memory_space<semaphore_mem>>) src(%arg16 : memref<2048xf32, #tpu.memory_space<vmem>>) dst(%dma_wait3A_316 : memref<102400xf32, #tpu.memory_space<vmem_shared>>)
      %add3A_317 = arith.constant 3 : i32
      %add3A_318 = arith.addi %add3A_296, %add3A_317 : i32
      %lt3A_319 = arith.cmpi slt, %add3A_318, %select_n3A : i32
      %convert_element_type3A_320 = arith.extui %lt3A_319 : i1 to i32
      %cond3A_321 = arith.constant 0 : i32
      %cond3A_322 = arith.cmpi ne, %convert_element_type3A_320, %cond3A_321 : i32
      scf.if %cond3A_322 {
        %add3A_324 = arith.constant 3 : i32
        %add3A_325 = arith.addi %add3A_297, %add3A_324 : i32
        %mul3A_326 = arith.constant 2048 : i32
        %mul3A_327 = arith.muli %add3A_325, %mul3A_326 : i32
        %dma_start3A_328 = arith.constant 0 : i32
        %dma_start3A_329 = tpu.memref_slice %arg2[%dma_start3A_328, %mul3A_327] : memref<2x6400000xi32, #tpu.memory_space<hbm>> -> memref<1x2048xi32, #tpu.memory_space<hbm>>
        %dma_start3A_330 = tpu.memref_squeeze %dma_start3A_329 : memref<1x2048xi32, #tpu.memory_space<hbm>> -> memref<2048xi32, #tpu.memory_space<hbm>>
        %dma_start3A_331 = tpu.memref_slice %arg2[%dma_start3A_328, %mul3A_327] : memref<2x6400000xi32, #tpu.memory_space<hbm>> -> memref<1x2048xi32, #tpu.memory_space<hbm>>
        %dma_start3A_332 = tpu.memref_squeeze %dma_start3A_331 : memref<1x2048xi32, #tpu.memory_space<hbm>> -> memref<2048xi32, #tpu.memory_space<hbm>>
        tpu.enqueue_dma source(%dma_start3A_332 : memref<2048xi32, #tpu.memory_space<hbm>>) target(%arg8 : memref<2048xi32, #tpu.memory_space<vmem>>) target_semaphore(%arg22 : memref<!tpu.dma_semaphore, #tpu.memory_space<semaphore_mem>>)
        %dma_start3A_333 = arith.constant 1 : i32
        %dma_start3A_334 = tpu.memref_slice %arg2[%dma_start3A_333, %mul3A_327] : memref<2x6400000xi32, #tpu.memory_space<hbm>> -> memref<1x2048xi32, #tpu.memory_space<hbm>>
        %dma_start3A_335 = tpu.memref_squeeze %dma_start3A_334 : memref<1x2048xi32, #tpu.memory_space<hbm>> -> memref<2048xi32, #tpu.memory_space<hbm>>
        %dma_start3A_336 = tpu.memref_slice %arg2[%dma_start3A_333, %mul3A_327] : memref<2x6400000xi32, #tpu.memory_space<hbm>> -> memref<1x2048xi32, #tpu.memory_space<hbm>>
        %dma_start3A_337 = tpu.memref_squeeze %dma_start3A_336 : memref<1x2048xi32, #tpu.memory_space<hbm>> -> memref<2048xi32, #tpu.memory_space<hbm>>
        tpu.enqueue_dma source(%dma_start3A_337 : memref<2048xi32, #tpu.memory_space<hbm>>) target(%arg12 : memref<2048xi32, #tpu.memory_space<vmem>>) target_semaphore(%arg22 : memref<!tpu.dma_semaphore, #tpu.memory_space<semaphore_mem>>)
      } else {
      }
      %scan3A_323 = arith.constant 0 : i32
      scf.yield %scan3A_323 : i32
    }
    %scan3A_94 = arith.constant 24 : i32
    %add3A_95 = arith.constant 96 : i32
    %add3A_96 = arith.addi %add3A_43, %add3A_95 : i32
    %mul3A_97 = arith.constant 2048 : i32
    %mul3A_98 = arith.muli %add3A_96, %mul3A_97 : i32
    %dma_wait3A_99 = arith.constant 0 : i32
    %dma_wait3A_100 = tpu.memref_slice %arg2[%dma_wait3A_99, %mul3A_98] : memref<2x6400000xi32, #tpu.memory_space<hbm>> -> memref<1x2048xi32, #tpu.memory_space<hbm>>
    %dma_wait3A_101 = tpu.memref_squeeze %dma_wait3A_100 : memref<1x2048xi32, #tpu.memory_space<hbm>> -> memref<2048xi32, #tpu.memory_space<hbm>>
    %dma_wait3A_102 = tpu.memref_slice %arg2[%dma_wait3A_99, %mul3A_98] : memref<2x6400000xi32, #tpu.memory_space<hbm>> -> memref<1x2048xi32, #tpu.memory_space<hbm>>
    %dma_wait3A_103 = tpu.memref_squeeze %dma_wait3A_102 : memref<1x2048xi32, #tpu.memory_space<hbm>> -> memref<2048xi32, #tpu.memory_space<hbm>>
    tpu.wait_dma2 semaphore(%arg20 : memref<!tpu.dma_semaphore, #tpu.memory_space<semaphore_mem>>) src(%dma_wait3A_103 : memref<2048xi32, #tpu.memory_space<hbm>>) dst(%arg6 : memref<2048xi32, #tpu.memory_space<vmem>>)
    %dma_wait3A_104 = arith.constant 1 : i32
    %dma_wait3A_105 = tpu.memref_slice %arg2[%dma_wait3A_104, %mul3A_98] : memref<2x6400000xi32, #tpu.memory_space<hbm>> -> memref<1x2048xi32, #tpu.memory_space<hbm>>
    %dma_wait3A_106 = tpu.memref_squeeze %dma_wait3A_105 : memref<1x2048xi32, #tpu.memory_space<hbm>> -> memref<2048xi32, #tpu.memory_space<hbm>>
    %dma_wait3A_107 = tpu.memref_slice %arg2[%dma_wait3A_104, %mul3A_98] : memref<2x6400000xi32, #tpu.memory_space<hbm>> -> memref<1x2048xi32, #tpu.memory_space<hbm>>
    %dma_wait3A_108 = tpu.memref_squeeze %dma_wait3A_107 : memref<1x2048xi32, #tpu.memory_space<hbm>> -> memref<2048xi32, #tpu.memory_space<hbm>>
    tpu.wait_dma2 semaphore(%arg20 : memref<!tpu.dma_semaphore, #tpu.memory_space<semaphore_mem>>) src(%dma_wait3A_108 : memref<2048xi32, #tpu.memory_space<hbm>>) dst(%arg10 : memref<2048xi32, #tpu.memory_space<vmem>>)
    %parallel_loop3A = arith.constant 0 : i32
    %parallel_loop3A_109 = arith.constant 128 : i32
    %parallel_loop3A_110 = arith.constant 1 : i32
    scf.for %parallel_loop3A_205 = %parallel_loop3A to %parallel_loop3A_109 step %parallel_loop3A_110  : i32 {
      %parallel_loop3A_206 = arith.constant 16 : i32
      %parallel_loop3A_207 = arith.muli %parallel_loop3A_205, %parallel_loop3A_206 : i32
      %parallel_loop3A_208 = arith.index_cast %parallel_loop3A_207 : i32 to index
      %parallel_loop3A_209 = tpu.vector_load %arg6[%parallel_loop3A_208] {strides = array<i32>} : memref<2048xi32, #tpu.memory_space<vmem>>, vector<16xi32>,
      %parallel_loop3A_210 = tpu.vector_load_idx %arg5[%parallel_loop3A_209] : memref<100000xf32, #tpu.memory_space<vmem>>[vector<16xi32>], vector<16xf32>,
      %parallel_loop3A_211 = arith.index_cast %parallel_loop3A_207 : i32 to index
      %parallel_loop3A_212 = tpu.vector_load %arg14[%parallel_loop3A_211] {strides = array<i32>} : memref<2048xf32, #tpu.memory_space<vmem>>, vector<16xf32>,
      tpu.vector_store %arg14[%parallel_loop3A_211], %parallel_loop3A_210 {strides = array<i32>} : memref<2048xf32, #tpu.memory_space<vmem>>, vector<16xf32>,
    } {sc.loop_unroll_factor = 8 : i64, sc.parallel_access}
    %dma_start3A_111 = arith.constant 0 : i32
    %dma_start3A_112 = tpu.memref_slice %arg18[%dma_start3A_111] : memref<102400xf32, #tpu.memory_space<vmem_shared>> -> memref<102400xf32, #tpu.memory_space<vmem_shared>>
    tpu.enqueue_indirect_dma source(%arg14 : memref<2048xf32, #tpu.memory_space<vmem>>) target(%dma_start3A_112 : memref<102400xf32, #tpu.memory_space<vmem_shared>>) offsets(%arg10 : memref<2048xi32, #tpu.memory_space<vmem>>) semaphore(%arg24 : memref<!tpu.dma_semaphore, #tpu.memory_space<semaphore_mem>>) {add = true}
    %lt3A_113 = arith.constant 21 : i32
    %lt3A_114 = arith.cmpi slt, %add3A, %lt3A_113 : i32
    %convert_element_type3A = arith.extui %lt3A_114 : i1 to i32
    %cond3A = arith.constant 0 : i32
    %cond3A_115 = arith.cmpi ne, %convert_element_type3A, %cond3A : i32
    scf.if %cond3A_115 {
      %add3A_205 = arith.constant 96 : i32
      %add3A_206 = arith.addi %add3A_43, %add3A_205 : i32
      %add3A_207 = arith.constant 1 : i32
      %add3A_208 = arith.addi %add3A_206, %add3A_207 : i32
      %mul3A_209 = arith.constant 2048 : i32
      %mul3A_210 = arith.muli %add3A_208, %mul3A_209 : i32
      %dma_wait3A_211 = arith.constant 0 : i32
      %dma_wait3A_212 = tpu.memref_slice %arg2[%dma_wait3A_211, %mul3A_210] : memref<2x6400000xi32, #tpu.memory_space<hbm>> -> memref<1x2048xi32, #tpu.memory_space<hbm>>
      %dma_wait3A_213 = tpu.memref_squeeze %dma_wait3A_212 : memref<1x2048xi32, #tpu.memory_space<hbm>> -> memref<2048xi32, #tpu.memory_space<hbm>>
      %dma_wait3A_214 = tpu.memref_slice %arg2[%dma_wait3A_211, %mul3A_210] : memref<2x6400000xi32, #tpu.memory_space<hbm>> -> memref<1x2048xi32, #tpu.memory_space<hbm>>
      %dma_wait3A_215 = tpu.memref_squeeze %dma_wait3A_214 : memref<1x2048xi32, #tpu.memory_space<hbm>> -> memref<2048xi32, #tpu.memory_space<hbm>>
      tpu.wait_dma2 semaphore(%arg21 : memref<!tpu.dma_semaphore, #tpu.memory_space<semaphore_mem>>) src(%dma_wait3A_215 : memref<2048xi32, #tpu.memory_space<hbm>>) dst(%arg7 : memref<2048xi32, #tpu.memory_space<vmem>>)
      %dma_wait3A_216 = arith.constant 1 : i32
      %dma_wait3A_217 = tpu.memref_slice %arg2[%dma_wait3A_216, %mul3A_210] : memref<2x6400000xi32, #tpu.memory_space<hbm>> -> memref<1x2048xi32, #tpu.memory_space<hbm>>
      %dma_wait3A_218 = tpu.memref_squeeze %dma_wait3A_217 : memref<1x2048xi32, #tpu.memory_space<hbm>> -> memref<2048xi32, #tpu.memory_space<hbm>>
      %dma_wait3A_219 = tpu.memref_slice %arg2[%dma_wait3A_216, %mul3A_210] : memref<2x6400000xi32, #tpu.memory_space<hbm>> -> memref<1x2048xi32, #tpu.memory_space<hbm>>
      %dma_wait3A_220 = tpu.memref_squeeze %dma_wait3A_219 : memref<1x2048xi32, #tpu.memory_space<hbm>> -> memref<2048xi32, #tpu.memory_space<hbm>>
      tpu.wait_dma2 semaphore(%arg21 : memref<!tpu.dma_semaphore, #tpu.memory_space<semaphore_mem>>) src(%dma_wait3A_220 : memref<2048xi32, #tpu.memory_space<hbm>>) dst(%arg11 : memref<2048xi32, #tpu.memory_space<vmem>>)
      %parallel_loop3A_221 = arith.constant 0 : i32
      %parallel_loop3A_222 = arith.constant 128 : i32
      %parallel_loop3A_223 = arith.constant 1 : i32
      scf.for %parallel_loop3A_228 = %parallel_loop3A_221 to %parallel_loop3A_222 step %parallel_loop3A_223  : i32 {
        %parallel_loop3A_229 = arith.constant 16 : i32
        %parallel_loop3A_230 = arith.muli %parallel_loop3A_228, %parallel_loop3A_229 : i32
        %parallel_loop3A_231 = arith.index_cast %parallel_loop3A_230 : i32 to index
        %parallel_loop3A_232 = tpu.vector_load %arg7[%parallel_loop3A_231] {strides = array<i32>} : memref<2048xi32, #tpu.memory_space<vmem>>, vector<16xi32>,
        %parallel_loop3A_233 = tpu.vector_load_idx %arg5[%parallel_loop3A_232] : memref<100000xf32, #tpu.memory_space<vmem>>[vector<16xi32>], vector<16xf32>,
        %parallel_loop3A_234 = arith.index_cast %parallel_loop3A_230 : i32 to index
        %parallel_loop3A_235 = tpu.vector_load %arg15[%parallel_loop3A_234] {strides = array<i32>} : memref<2048xf32, #tpu.memory_space<vmem>>, vector<16xf32>,
        tpu.vector_store %arg15[%parallel_loop3A_234], %parallel_loop3A_233 {strides = array<i32>} : memref<2048xf32, #tpu.memory_space<vmem>>, vector<16xf32>,
      } {sc.loop_unroll_factor = 8 : i64, sc.parallel_access}
      %dma_start3A_224 = arith.constant 0 : i32
      %dma_start3A_225 = tpu.memref_slice %arg18[%dma_start3A_224] : memref<102400xf32, #tpu.memory_space<vmem_shared>> -> memref<102400xf32, #tpu.memory_space<vmem_shared>>
      tpu.enqueue_indirect_dma source(%arg15 : memref<2048xf32, #tpu.memory_space<vmem>>) target(%dma_start3A_225 : memref<102400xf32, #tpu.memory_space<vmem_shared>>) offsets(%arg11 : memref<2048xi32, #tpu.memory_space<vmem>>) semaphore(%arg25 : memref<!tpu.dma_semaphore, #tpu.memory_space<semaphore_mem>>) {add = true}
      %dma_wait3A_226 = arith.constant 0 : i32
      %dma_wait3A_227 = tpu.memref_slice %arg18[%dma_wait3A_226] : memref<102400xf32, #tpu.memory_space<vmem_shared>> -> memref<102400xf32, #tpu.memory_space<vmem_shared>>
      tpu.wait_indirect_dma semaphore(%arg25 : memref<!tpu.dma_semaphore, #tpu.memory_space<semaphore_mem>>) src(%arg15 : memref<2048xf32, #tpu.memory_space<vmem>>) dst(%dma_wait3A_227 : memref<102400xf32, #tpu.memory_space<vmem_shared>>)
    } else {
    }
    %dma_wait3A_116 = arith.constant 0 : i32
    %dma_wait3A_117 = tpu.memref_slice %arg18[%dma_wait3A_116] : memref<102400xf32, #tpu.memory_space<vmem_shared>> -> memref<102400xf32, #tpu.memory_space<vmem_shared>>
    tpu.wait_indirect_dma semaphore(%arg27 : memref<!tpu.dma_semaphore, #tpu.memory_space<semaphore_mem>>) src(%arg17 : memref<2048xf32, #tpu.memory_space<vmem>>) dst(%dma_wait3A_117 : memref<102400xf32, #tpu.memory_space<vmem_shared>>)
    %dma_wait3A_118 = arith.constant 0 : i32
    %dma_wait3A_119 = tpu.memref_slice %arg18[%dma_wait3A_118] : memref<102400xf32, #tpu.memory_space<vmem_shared>> -> memref<102400xf32, #tpu.memory_space<vmem_shared>>
    tpu.wait_indirect_dma semaphore(%arg24 : memref<!tpu.dma_semaphore, #tpu.memory_space<semaphore_mem>>) src(%arg14 : memref<2048xf32, #tpu.memory_space<vmem>>) dst(%dma_wait3A_119 : memref<102400xf32, #tpu.memory_space<vmem_shared>>)
    %barrier3A_120 = arith.constant 0 : index
    tpu.barrier barrier_id(%barrier3A_120)
    %add3A_121 = arith.constant 0 : i32
    %add3A_122 = arith.addi %mul3A_8, %add3A_121 : i32
    %dma_start3A_123 = tpu.memref_slice %arg18[%add3A_122] : memref<102400xf32, #tpu.memory_space<vmem_shared>> -> memref<2048xf32, #tpu.memory_space<vmem_shared>>
    %dma_start3A_124 = tpu.memref_slice %arg18[%add3A_122] : memref<102400xf32, #tpu.memory_space<vmem_shared>> -> memref<2048xf32, #tpu.memory_space<vmem_shared>>
    tpu.enqueue_dma source(%dma_start3A_124 : memref<2048xf32, #tpu.memory_space<vmem_shared>>) target(%arg14 : memref<2048xf32, #tpu.memory_space<vmem>>) target_semaphore(%arg20 : memref<!tpu.dma_semaphore, #tpu.memory_space<semaphore_mem>>)
    %add3A_125 = arith.constant 2048 : i32
    %add3A_126 = arith.addi %mul3A_8, %add3A_125 : i32
    %dma_start3A_127 = tpu.memref_slice %arg18[%add3A_126] : memref<102400xf32, #tpu.memory_space<vmem_shared>> -> memref<2048xf32, #tpu.memory_space<vmem_shared>>
    %dma_start3A_128 = tpu.memref_slice %arg18[%add3A_126] : memref<102400xf32, #tpu.memory_space<vmem_shared>> -> memref<2048xf32, #tpu.memory_space<vmem_shared>>
    tpu.enqueue_dma source(%dma_start3A_128 : memref<2048xf32, #tpu.memory_space<vmem_shared>>) target(%arg15 : memref<2048xf32, #tpu.memory_space<vmem>>) target_semaphore(%arg21 : memref<!tpu.dma_semaphore, #tpu.memory_space<semaphore_mem>>)
    %add3A_129 = arith.constant 4096 : i32
    %add3A_130 = arith.addi %mul3A_8, %add3A_129 : i32
    %dma_start3A_131 = tpu.memref_slice %arg18[%add3A_130] : memref<102400xf32, #tpu.memory_space<vmem_shared>> -> memref<2048xf32, #tpu.memory_space<vmem_shared>>
    %dma_start3A_132 = tpu.memref_slice %arg18[%add3A_130] : memref<102400xf32, #tpu.memory_space<vmem_shared>> -> memref<2048xf32, #tpu.memory_space<vmem_shared>>
    tpu.enqueue_dma source(%dma_start3A_132 : memref<2048xf32, #tpu.memory_space<vmem_shared>>) target(%arg16 : memref<2048xf32, #tpu.memory_space<vmem>>) target_semaphore(%arg22 : memref<!tpu.dma_semaphore, #tpu.memory_space<semaphore_mem>>)
    %add3A_133 = arith.constant 6400 : i32
    %add3A_134 = arith.addi %mul3A_8, %add3A_133 : i32
    %sub3A_135 = arith.constant 256 : i32
    %sub3A_136 = arith.subi %add3A_134, %sub3A_135 : i32
    %dma_start3A_137 = arith.constant 0 : i32
    %dma_start3A_138 = tpu.memref_slice %arg17[%dma_start3A_137] : memref<2048xf32, #tpu.memory_space<vmem>> -> memref<256xf32, #tpu.memory_space<vmem>>
    %dma_start3A_139 = tpu.memref_slice %arg18[%sub3A_136] : memref<102400xf32, #tpu.memory_space<vmem_shared>> -> memref<256xf32, #tpu.memory_space<vmem_shared>>
    %dma_start3A_140 = arith.constant 0 : i32
    %dma_start3A_141 = tpu.memref_slice %arg17[%dma_start3A_140] : memref<2048xf32, #tpu.memory_space<vmem>> -> memref<256xf32, #tpu.memory_space<vmem>>
    %dma_start3A_142 = tpu.memref_slice %arg18[%sub3A_136] : memref<102400xf32, #tpu.memory_space<vmem_shared>> -> memref<256xf32, #tpu.memory_space<vmem_shared>>
    tpu.enqueue_dma source(%dma_start3A_142 : memref<256xf32, #tpu.memory_space<vmem_shared>>) target(%dma_start3A_141 : memref<256xf32, #tpu.memory_space<vmem>>) target_semaphore(%arg23 : memref<!tpu.dma_semaphore, #tpu.memory_space<semaphore_mem>>)
    %dma_wait3A_143 = tpu.memref_slice %arg18[%add3A_122] : memref<102400xf32, #tpu.memory_space<vmem_shared>> -> memref<2048xf32, #tpu.memory_space<vmem_shared>>
    %dma_wait3A_144 = tpu.memref_slice %arg18[%add3A_122] : memref<102400xf32, #tpu.memory_space<vmem_shared>> -> memref<2048xf32, #tpu.memory_space<vmem_shared>>
    tpu.wait_dma2 semaphore(%arg20 : memref<!tpu.dma_semaphore, #tpu.memory_space<semaphore_mem>>) src(%dma_wait3A_144 : memref<2048xf32, #tpu.memory_space<vmem_shared>>) dst(%arg14 : memref<2048xf32, #tpu.memory_space<vmem>>)
    %dma_wait3A_145 = tpu.memref_slice %arg18[%add3A_126] : memref<102400xf32, #tpu.memory_space<vmem_shared>> -> memref<2048xf32, #tpu.memory_space<vmem_shared>>
    %dma_wait3A_146 = tpu.memref_slice %arg18[%add3A_126] : memref<102400xf32, #tpu.memory_space<vmem_shared>> -> memref<2048xf32, #tpu.memory_space<vmem_shared>>
    tpu.wait_dma2 semaphore(%arg21 : memref<!tpu.dma_semaphore, #tpu.memory_space<semaphore_mem>>) src(%dma_wait3A_146 : memref<2048xf32, #tpu.memory_space<vmem_shared>>) dst(%arg15 : memref<2048xf32, #tpu.memory_space<vmem>>)
    %dma_wait3A_147 = tpu.memref_slice %arg18[%add3A_130] : memref<102400xf32, #tpu.memory_space<vmem_shared>> -> memref<2048xf32, #tpu.memory_space<vmem_shared>>
    %dma_wait3A_148 = tpu.memref_slice %arg18[%add3A_130] : memref<102400xf32, #tpu.memory_space<vmem_shared>> -> memref<2048xf32, #tpu.memory_space<vmem_shared>>
    tpu.wait_dma2 semaphore(%arg22 : memref<!tpu.dma_semaphore, #tpu.memory_space<semaphore_mem>>) src(%dma_wait3A_148 : memref<2048xf32, #tpu.memory_space<vmem_shared>>) dst(%arg16 : memref<2048xf32, #tpu.memory_space<vmem>>)
    %dma_wait3A_149 = arith.constant 0 : i32
    %dma_wait3A_150 = tpu.memref_slice %arg17[%dma_wait3A_149] : memref<2048xf32, #tpu.memory_space<vmem>> -> memref<256xf32, #tpu.memory_space<vmem>>
    %dma_wait3A_151 = tpu.memref_slice %arg18[%sub3A_136] : memref<102400xf32, #tpu.memory_space<vmem_shared>> -> memref<256xf32, #tpu.memory_space<vmem_shared>>
    %dma_wait3A_152 = arith.constant 0 : i32
    %dma_wait3A_153 = tpu.memref_slice %arg17[%dma_wait3A_152] : memref<2048xf32, #tpu.memory_space<vmem>> -> memref<256xf32, #tpu.memory_space<vmem>>
    %dma_wait3A_154 = tpu.memref_slice %arg18[%sub3A_136] : memref<102400xf32, #tpu.memory_space<vmem_shared>> -> memref<256xf32, #tpu.memory_space<vmem_shared>>
    tpu.wait_dma2 semaphore(%arg23 : memref<!tpu.dma_semaphore, #tpu.memory_space<semaphore_mem>>) src(%dma_wait3A_154 : memref<256xf32, #tpu.memory_space<vmem_shared>>) dst(%dma_wait3A_153 : memref<256xf32, #tpu.memory_space<vmem>>)
    %add3A_155 = arith.constant 0 : i32
    %add3A_156 = arith.addi %mul3A_8, %add3A_155 : i32
    %dma_start3A_157 = tpu.memref_slice %arg4[%arg0, %add3A_156] : memref<2x102400xf32, #tpu.memory_space<hbm>> -> memref<1x2048xf32, #tpu.memory_space<hbm>>
    %dma_start3A_158 = tpu.memref_squeeze %dma_start3A_157 : memref<1x2048xf32, #tpu.memory_space<hbm>> -> memref<2048xf32, #tpu.memory_space<hbm>>
    %dma_start3A_159 = tpu.memref_slice %arg4[%arg0, %add3A_156] : memref<2x102400xf32, #tpu.memory_space<hbm>> -> memref<1x2048xf32, #tpu.memory_space<hbm>>
    %dma_start3A_160 = tpu.memref_squeeze %dma_start3A_159 : memref<1x2048xf32, #tpu.memory_space<hbm>> -> memref<2048xf32, #tpu.memory_space<hbm>>
    tpu.enqueue_dma source(%arg14 : memref<2048xf32, #tpu.memory_space<vmem>>) target(%dma_start3A_160 : memref<2048xf32, #tpu.memory_space<hbm>>) target_semaphore(%arg24 : memref<!tpu.dma_semaphore, #tpu.memory_space<semaphore_mem>>)
    %add3A_161 = arith.constant 2048 : i32
    %add3A_162 = arith.addi %mul3A_8, %add3A_161 : i32
    %dma_start3A_163 = tpu.memref_slice %arg4[%arg0, %add3A_162] : memref<2x102400xf32, #tpu.memory_space<hbm>> -> memref<1x2048xf32, #tpu.memory_space<hbm>>
    %dma_start3A_164 = tpu.memref_squeeze %dma_start3A_163 : memref<1x2048xf32, #tpu.memory_space<hbm>> -> memref<2048xf32, #tpu.memory_space<hbm>>
    %dma_start3A_165 = tpu.memref_slice %arg4[%arg0, %add3A_162] : memref<2x102400xf32, #tpu.memory_space<hbm>> -> memref<1x2048xf32, #tpu.memory_space<hbm>>
    %dma_start3A_166 = tpu.memref_squeeze %dma_start3A_165 : memref<1x2048xf32, #tpu.memory_space<hbm>> -> memref<2048xf32, #tpu.memory_space<hbm>>
    tpu.enqueue_dma source(%arg15 : memref<2048xf32, #tpu.memory_space<vmem>>) target(%dma_start3A_166 : memref<2048xf32, #tpu.memory_space<hbm>>) target_semaphore(%arg25 : memref<!tpu.dma_semaphore, #tpu.memory_space<semaphore_mem>>)
    %add3A_167 = arith.constant 4096 : i32
    %add3A_168 = arith.addi %mul3A_8, %add3A_167 : i32
    %dma_start3A_169 = tpu.memref_slice %arg4[%arg0, %add3A_168] : memref<2x102400xf32, #tpu.memory_space<hbm>> -> memref<1x2048xf32, #tpu.memory_space<hbm>>
    %dma_start3A_170 = tpu.memref_squeeze %dma_start3A_169 : memref<1x2048xf32, #tpu.memory_space<hbm>> -> memref<2048xf32, #tpu.memory_space<hbm>>
    %dma_start3A_171 = tpu.memref_slice %arg4[%arg0, %add3A_168] : memref<2x102400xf32, #tpu.memory_space<hbm>> -> memref<1x2048xf32, #tpu.memory_space<hbm>>
    %dma_start3A_172 = tpu.memref_squeeze %dma_start3A_171 : memref<1x2048xf32, #tpu.memory_space<hbm>> -> memref<2048xf32, #tpu.memory_space<hbm>>
    tpu.enqueue_dma source(%arg16 : memref<2048xf32, #tpu.memory_space<vmem>>) target(%dma_start3A_172 : memref<2048xf32, #tpu.memory_space<hbm>>) target_semaphore(%arg26 : memref<!tpu.dma_semaphore, #tpu.memory_space<semaphore_mem>>)
    %add3A_173 = arith.constant 6400 : i32
    %add3A_174 = arith.addi %mul3A_8, %add3A_173 : i32
    %sub3A_175 = arith.constant 256 : i32
    %sub3A_176 = arith.subi %add3A_174, %sub3A_175 : i32
    %dma_start3A_177 = arith.constant 0 : i32
    %dma_start3A_178 = tpu.memref_slice %arg17[%dma_start3A_177] : memref<2048xf32, #tpu.memory_space<vmem>> -> memref<256xf32, #tpu.memory_space<vmem>>
    %dma_start3A_179 = tpu.memref_slice %arg4[%arg0, %sub3A_176] : memref<2x102400xf32, #tpu.memory_space<hbm>> -> memref<1x256xf32, #tpu.memory_space<hbm>>
    %dma_start3A_180 = tpu.memref_squeeze %dma_start3A_179 : memref<1x256xf32, #tpu.memory_space<hbm>> -> memref<256xf32, #tpu.memory_space<hbm>>
    %dma_start3A_181 = tpu.memref_slice %arg4[%arg0, %sub3A_176] : memref<2x102400xf32, #tpu.memory_space<hbm>> -> memref<1x256xf32, #tpu.memory_space<hbm>>
    %dma_start3A_182 = tpu.memref_squeeze %dma_start3A_181 : memref<1x256xf32, #tpu.memory_space<hbm>> -> memref<256xf32, #tpu.memory_space<hbm>>
    %dma_start3A_183 = arith.constant 0 : i32
    %dma_start3A_184 = tpu.memref_slice %arg17[%dma_start3A_183] : memref<2048xf32, #tpu.memory_space<vmem>> -> memref<256xf32, #tpu.memory_space<vmem>>
    tpu.enqueue_dma source(%dma_start3A_184 : memref<256xf32, #tpu.memory_space<vmem>>) target(%dma_start3A_182 : memref<256xf32, #tpu.memory_space<hbm>>) target_semaphore(%arg27 : memref<!tpu.dma_semaphore, #tpu.memory_space<semaphore_mem>>)
    %dma_wait3A_185 = tpu.memref_slice %arg4[%arg0, %add3A_156] : memref<2x102400xf32, #tpu.memory_space<hbm>> -> memref<1x2048xf32, #tpu.memory_space<hbm>>
    %dma_wait3A_186 = tpu.memref_squeeze %dma_wait3A_185 : memref<1x2048xf32, #tpu.memory_space<hbm>> -> memref<2048xf32, #tpu.memory_space<hbm>>
    %dma_wait3A_187 = tpu.memref_slice %arg4[%arg0, %add3A_156] : memref<2x102400xf32, #tpu.memory_space<hbm>> -> memref<1x2048xf32, #tpu.memory_space<hbm>>
    %dma_wait3A_188 = tpu.memref_squeeze %dma_wait3A_187 : memref<1x2048xf32, #tpu.memory_space<hbm>> -> memref<2048xf32, #tpu.memory_space<hbm>>
    tpu.wait_dma2 semaphore(%arg24 : memref<!tpu.dma_semaphore, #tpu.memory_space<semaphore_mem>>) src(%arg14 : memref<2048xf32, #tpu.memory_space<vmem>>) dst(%dma_wait3A_188 : memref<2048xf32, #tpu.memory_space<hbm>>)
    %dma_wait3A_189 = tpu.memref_slice %arg4[%arg0, %add3A_162] : memref<2x102400xf32, #tpu.memory_space<hbm>> -> memref<1x2048xf32, #tpu.memory_space<hbm>>
    %dma_wait3A_190 = tpu.memref_squeeze %dma_wait3A_189 : memref<1x2048xf32, #tpu.memory_space<hbm>> -> memref<2048xf32, #tpu.memory_space<hbm>>
    %dma_wait3A_191 = tpu.memref_slice %arg4[%arg0, %add3A_162] : memref<2x102400xf32, #tpu.memory_space<hbm>> -> memref<1x2048xf32, #tpu.memory_space<hbm>>
    %dma_wait3A_192 = tpu.memref_squeeze %dma_wait3A_191 : memref<1x2048xf32, #tpu.memory_space<hbm>> -> memref<2048xf32, #tpu.memory_space<hbm>>
    tpu.wait_dma2 semaphore(%arg25 : memref<!tpu.dma_semaphore, #tpu.memory_space<semaphore_mem>>) src(%arg15 : memref<2048xf32, #tpu.memory_space<vmem>>) dst(%dma_wait3A_192 : memref<2048xf32, #tpu.memory_space<hbm>>)
    %dma_wait3A_193 = tpu.memref_slice %arg4[%arg0, %add3A_168] : memref<2x102400xf32, #tpu.memory_space<hbm>> -> memref<1x2048xf32, #tpu.memory_space<hbm>>
    %dma_wait3A_194 = tpu.memref_squeeze %dma_wait3A_193 : memref<1x2048xf32, #tpu.memory_space<hbm>> -> memref<2048xf32, #tpu.memory_space<hbm>>
    %dma_wait3A_195 = tpu.memref_slice %arg4[%arg0, %add3A_168] : memref<2x102400xf32, #tpu.memory_space<hbm>> -> memref<1x2048xf32, #tpu.memory_space<hbm>>
    %dma_wait3A_196 = tpu.memref_squeeze %dma_wait3A_195 : memref<1x2048xf32, #tpu.memory_space<hbm>> -> memref<2048xf32, #tpu.memory_space<hbm>>
    tpu.wait_dma2 semaphore(%arg26 : memref<!tpu.dma_semaphore, #tpu.memory_space<semaphore_mem>>) src(%arg16 : memref<2048xf32, #tpu.memory_space<vmem>>) dst(%dma_wait3A_196 : memref<2048xf32, #tpu.memory_space<hbm>>)
    %dma_wait3A_197 = arith.constant 0 : i32
    %dma_wait3A_198 = tpu.memref_slice %arg17[%dma_wait3A_197] : memref<2048xf32, #tpu.memory_space<vmem>> -> memref<256xf32, #tpu.memory_space<vmem>>
    %dma_wait3A_199 = tpu.memref_slice %arg4[%arg0, %sub3A_176] : memref<2x102400xf32, #tpu.memory_space<hbm>> -> memref<1x256xf32, #tpu.memory_space<hbm>>
    %dma_wait3A_200 = tpu.memref_squeeze %dma_wait3A_199 : memref<1x256xf32, #tpu.memory_space<hbm>> -> memref<256xf32, #tpu.memory_space<hbm>>
    %dma_wait3A_201 = tpu.memref_slice %arg4[%arg0, %sub3A_176] : memref<2x102400xf32, #tpu.memory_space<hbm>> -> memref<1x256xf32, #tpu.memory_space<hbm>>
    %dma_wait3A_202 = tpu.memref_squeeze %dma_wait3A_201 : memref<1x256xf32, #tpu.memory_space<hbm>> -> memref<256xf32, #tpu.memory_space<hbm>>
    %dma_wait3A_203 = arith.constant 0 : i32
    %dma_wait3A_204 = tpu.memref_slice %arg17[%dma_wait3A_203] : memref<2048xf32, #tpu.memory_space<vmem>> -> memref<256xf32, #tpu.memory_space<vmem>>
    tpu.wait_dma2 semaphore(%arg27 : memref<!tpu.dma_semaphore, #tpu.memory_space<semaphore_mem>>) src(%dma_wait3A_204 : memref<256xf32, #tpu.memory_space<vmem>>) dst(%dma_wait3A_202 : memref<256xf32, #tpu.memory_space<hbm>>)
    return
  }
}

#map = affine_map<(d0, d1) -> (0, 0)>
#map1 = affine_map<(d0, d1) -> (0)>
module attributes {stable_mosaic.version = 14 : i64} {
  func.func @_pool_kernel(%arg0: i32, %arg1: i32, %arg2: memref<2x102400xf32, #tpu.memory_space<hbm>>, %arg3: memref<102400xi32, #tpu.memory_space<hbm>>, %arg4: memref<2x128xf32, #tpu.memory_space<hbm>>, %arg5: memref<2x128xf32, #tpu.memory_space<hbm>>, %arg6: memref<3200xf32, #tpu.memory_space<vmem>>, %arg7: memref<3200xf32, #tpu.memory_space<vmem>>, %arg8: memref<3200xf32, #tpu.memory_space<vmem>>, %arg9: memref<3200xf32, #tpu.memory_space<vmem>>, %arg10: memref<3200xi32, #tpu.memory_space<vmem>>, %arg11: memref<128xf32, #tpu.memory_space<vmem>>, %arg12: memref<128xf32, #tpu.memory_space<vmem_shared>>, %arg13: memref<128xf32, #tpu.memory_space<vmem_shared>>, %arg14: memref<!tpu.dma_semaphore, #tpu.memory_space<semaphore_mem>>, %arg15: memref<!tpu.dma_semaphore, #tpu.memory_space<semaphore_mem>>, %arg16: memref<!tpu.dma_semaphore, #tpu.memory_space<semaphore_mem>>) attributes {dimension_semantics = [#tpu.dimension_semantics<core_parallel>, #tpu.dimension_semantics<subcore_parallel>], iteration_bounds = array<i64: 2, 16>, scalar_prefetch = 0 : i64, scratch_operands = 11 : i64, tpu.core_type = #tpu.core_type<sc_vector_subcore>, window_params = [{transform_indices = #map}, {transform_indices = #map1}, {transform_indices = #map}, {transform_indices = #map}]} {
    %mul3A = arith.constant 16 : i32
    %mul3A_0 = arith.muli %arg0, %mul3A : i32
    %add3A = arith.addi %mul3A_0, %arg1 : i32
    %broadcast_in_dim3A = arith.constant 0.000000e+00 : f32
    %broadcast_in_dim3A_1 = vector.broadcast %broadcast_in_dim3A : f32 to vector<16xf32>
    %swap3A = arith.constant 0 : index
    %swap3A_2 = tpu.vector_load %arg11[%swap3A] {strides = array<i32>} : memref<128xf32, #tpu.memory_space<vmem>>, vector<16xf32>,
    %swap3A_3 = vector.shape_cast %swap3A_2 : vector<16xf32> to vector<16xf32>
    %swap3A_4 = vector.shape_cast %broadcast_in_dim3A_1 : vector<16xf32> to vector<16xf32>
    tpu.vector_store %arg11[%swap3A], %swap3A_4 {strides = array<i32>} : memref<128xf32, #tpu.memory_space<vmem>>, vector<16xf32>,
    %broadcast_in_dim3A_5 = arith.constant 0.000000e+00 : f32
    %broadcast_in_dim3A_6 = vector.broadcast %broadcast_in_dim3A_5 : f32 to vector<16xf32>
    %swap3A_7 = arith.constant 16 : index
    %swap3A_8 = tpu.vector_load %arg11[%swap3A_7] {strides = array<i32>} : memref<128xf32, #tpu.memory_space<vmem>>, vector<16xf32>,
    %swap3A_9 = vector.shape_cast %swap3A_8 : vector<16xf32> to vector<16xf32>
    %swap3A_10 = vector.shape_cast %broadcast_in_dim3A_6 : vector<16xf32> to vector<16xf32>
    tpu.vector_store %arg11[%swap3A_7], %swap3A_10 {strides = array<i32>} : memref<128xf32, #tpu.memory_space<vmem>>, vector<16xf32>,
    %broadcast_in_dim3A_11 = arith.constant 0.000000e+00 : f32
    %broadcast_in_dim3A_12 = vector.broadcast %broadcast_in_dim3A_11 : f32 to vector<16xf32>
    %swap3A_13 = arith.constant 32 : index
    %swap3A_14 = tpu.vector_load %arg11[%swap3A_13] {strides = array<i32>} : memref<128xf32, #tpu.memory_space<vmem>>, vector<16xf32>,
    %swap3A_15 = vector.shape_cast %swap3A_14 : vector<16xf32> to vector<16xf32>
    %swap3A_16 = vector.shape_cast %broadcast_in_dim3A_12 : vector<16xf32> to vector<16xf32>
    tpu.vector_store %arg11[%swap3A_13], %swap3A_16 {strides = array<i32>} : memref<128xf32, #tpu.memory_space<vmem>>, vector<16xf32>,
    %broadcast_in_dim3A_17 = arith.constant 0.000000e+00 : f32
    %broadcast_in_dim3A_18 = vector.broadcast %broadcast_in_dim3A_17 : f32 to vector<16xf32>
    %swap3A_19 = arith.constant 48 : index
    %swap3A_20 = tpu.vector_load %arg11[%swap3A_19] {strides = array<i32>} : memref<128xf32, #tpu.memory_space<vmem>>, vector<16xf32>,
    %swap3A_21 = vector.shape_cast %swap3A_20 : vector<16xf32> to vector<16xf32>
    %swap3A_22 = vector.shape_cast %broadcast_in_dim3A_18 : vector<16xf32> to vector<16xf32>
    tpu.vector_store %arg11[%swap3A_19], %swap3A_22 {strides = array<i32>} : memref<128xf32, #tpu.memory_space<vmem>>, vector<16xf32>,
    %broadcast_in_dim3A_23 = arith.constant 0.000000e+00 : f32
    %broadcast_in_dim3A_24 = vector.broadcast %broadcast_in_dim3A_23 : f32 to vector<16xf32>
    %swap3A_25 = arith.constant 64 : index
    %swap3A_26 = tpu.vector_load %arg11[%swap3A_25] {strides = array<i32>} : memref<128xf32, #tpu.memory_space<vmem>>, vector<16xf32>,
    %swap3A_27 = vector.shape_cast %swap3A_26 : vector<16xf32> to vector<16xf32>
    %swap3A_28 = vector.shape_cast %broadcast_in_dim3A_24 : vector<16xf32> to vector<16xf32>
    tpu.vector_store %arg11[%swap3A_25], %swap3A_28 {strides = array<i32>} : memref<128xf32, #tpu.memory_space<vmem>>, vector<16xf32>,
    %broadcast_in_dim3A_29 = arith.constant 0.000000e+00 : f32
    %broadcast_in_dim3A_30 = vector.broadcast %broadcast_in_dim3A_29 : f32 to vector<16xf32>
    %swap3A_31 = arith.constant 80 : index
    %swap3A_32 = tpu.vector_load %arg11[%swap3A_31] {strides = array<i32>} : memref<128xf32, #tpu.memory_space<vmem>>, vector<16xf32>,
    %swap3A_33 = vector.shape_cast %swap3A_32 : vector<16xf32> to vector<16xf32>
    %swap3A_34 = vector.shape_cast %broadcast_in_dim3A_30 : vector<16xf32> to vector<16xf32>
    tpu.vector_store %arg11[%swap3A_31], %swap3A_34 {strides = array<i32>} : memref<128xf32, #tpu.memory_space<vmem>>, vector<16xf32>,
    %broadcast_in_dim3A_35 = arith.constant 0.000000e+00 : f32
    %broadcast_in_dim3A_36 = vector.broadcast %broadcast_in_dim3A_35 : f32 to vector<16xf32>
    %swap3A_37 = arith.constant 96 : index
    %swap3A_38 = tpu.vector_load %arg11[%swap3A_37] {strides = array<i32>} : memref<128xf32, #tpu.memory_space<vmem>>, vector<16xf32>,
    %swap3A_39 = vector.shape_cast %swap3A_38 : vector<16xf32> to vector<16xf32>
    %swap3A_40 = vector.shape_cast %broadcast_in_dim3A_36 : vector<16xf32> to vector<16xf32>
    tpu.vector_store %arg11[%swap3A_37], %swap3A_40 {strides = array<i32>} : memref<128xf32, #tpu.memory_space<vmem>>, vector<16xf32>,
    %broadcast_in_dim3A_41 = arith.constant 0.000000e+00 : f32
    %broadcast_in_dim3A_42 = vector.broadcast %broadcast_in_dim3A_41 : f32 to vector<16xf32>
    %swap3A_43 = arith.constant 112 : index
    %swap3A_44 = tpu.vector_load %arg11[%swap3A_43] {strides = array<i32>} : memref<128xf32, #tpu.memory_space<vmem>>, vector<16xf32>,
    %swap3A_45 = vector.shape_cast %swap3A_44 : vector<16xf32> to vector<16xf32>
    %swap3A_46 = vector.shape_cast %broadcast_in_dim3A_42 : vector<16xf32> to vector<16xf32>
    tpu.vector_store %arg11[%swap3A_43], %swap3A_46 {strides = array<i32>} : memref<128xf32, #tpu.memory_space<vmem>>, vector<16xf32>,
    %eq3A = arith.constant 0 : i32
    %eq3A_47 = arith.cmpi eq, %arg1, %eq3A : i32
    %convert_element_type3A = arith.extui %eq3A_47 : i1 to i32
    %cond3A = arith.constant 0 : i32
    %cond3A_48 = arith.cmpi ne, %convert_element_type3A, %cond3A : i32
    scf.if %cond3A_48 {
      "tpu.region"() ({
        %run_scoped3A = tpu.sem_alloc : memref<!tpu.dma_semaphore, #tpu.memory_space<semaphore_mem>>
        tpu.enqueue_dma source(%arg11 : memref<128xf32, #tpu.memory_space<vmem>>) target(%arg12 : memref<128xf32, #tpu.memory_space<vmem_shared>>) target_semaphore(%run_scoped3A : memref<!tpu.dma_semaphore, #tpu.memory_space<semaphore_mem>>)
        tpu.wait_dma2 semaphore(%run_scoped3A : memref<!tpu.dma_semaphore, #tpu.memory_space<semaphore_mem>>) src(%arg11 : memref<128xf32, #tpu.memory_space<vmem>>) dst(%arg12 : memref<128xf32, #tpu.memory_space<vmem_shared>>)
        tpu.yield
      }) : () -> ()
      "tpu.region"() ({
        %run_scoped3A = tpu.sem_alloc : memref<!tpu.dma_semaphore, #tpu.memory_space<semaphore_mem>>
        tpu.enqueue_dma source(%arg11 : memref<128xf32, #tpu.memory_space<vmem>>) target(%arg13 : memref<128xf32, #tpu.memory_space<vmem_shared>>) target_semaphore(%run_scoped3A : memref<!tpu.dma_semaphore, #tpu.memory_space<semaphore_mem>>)
        tpu.wait_dma2 semaphore(%run_scoped3A : memref<!tpu.dma_semaphore, #tpu.memory_space<semaphore_mem>>) src(%arg11 : memref<128xf32, #tpu.memory_space<vmem>>) dst(%arg13 : memref<128xf32, #tpu.memory_space<vmem_shared>>)
        tpu.yield
      }) : () -> ()
    } else {
    }
    %barrier3A = arith.constant 0 : index
    tpu.barrier barrier_id(%barrier3A)
    %mul3A_49 = arith.constant 3200 : i32
    %mul3A_50 = arith.muli %add3A, %mul3A_49 : i32
    %dma_start3A = arith.constant 0 : i32
    %dma_start3A_51 = tpu.memref_slice %arg2[%dma_start3A, %mul3A_50] : memref<2x102400xf32, #tpu.memory_space<hbm>> -> memref<1x3200xf32, #tpu.memory_space<hbm>>
    %dma_start3A_52 = tpu.memref_squeeze %dma_start3A_51 : memref<1x3200xf32, #tpu.memory_space<hbm>> -> memref<3200xf32, #tpu.memory_space<hbm>>
    %dma_start3A_53 = tpu.memref_slice %arg2[%dma_start3A, %mul3A_50] : memref<2x102400xf32, #tpu.memory_space<hbm>> -> memref<1x3200xf32, #tpu.memory_space<hbm>>
    %dma_start3A_54 = tpu.memref_squeeze %dma_start3A_53 : memref<1x3200xf32, #tpu.memory_space<hbm>> -> memref<3200xf32, #tpu.memory_space<hbm>>
    tpu.enqueue_dma source(%dma_start3A_54 : memref<3200xf32, #tpu.memory_space<hbm>>) target(%arg6 : memref<3200xf32, #tpu.memory_space<vmem>>) target_semaphore(%arg16 : memref<!tpu.dma_semaphore, #tpu.memory_space<semaphore_mem>>)
    %dma_start3A_55 = arith.constant 1 : i32
    %dma_start3A_56 = tpu.memref_slice %arg2[%dma_start3A_55, %mul3A_50] : memref<2x102400xf32, #tpu.memory_space<hbm>> -> memref<1x3200xf32, #tpu.memory_space<hbm>>
    %dma_start3A_57 = tpu.memref_squeeze %dma_start3A_56 : memref<1x3200xf32, #tpu.memory_space<hbm>> -> memref<3200xf32, #tpu.memory_space<hbm>>
    %dma_start3A_58 = tpu.memref_slice %arg2[%dma_start3A_55, %mul3A_50] : memref<2x102400xf32, #tpu.memory_space<hbm>> -> memref<1x3200xf32, #tpu.memory_space<hbm>>
    %dma_start3A_59 = tpu.memref_squeeze %dma_start3A_58 : memref<1x3200xf32, #tpu.memory_space<hbm>> -> memref<3200xf32, #tpu.memory_space<hbm>>
    tpu.enqueue_dma source(%dma_start3A_59 : memref<3200xf32, #tpu.memory_space<hbm>>) target(%arg7 : memref<3200xf32, #tpu.memory_space<vmem>>) target_semaphore(%arg16 : memref<!tpu.dma_semaphore, #tpu.memory_space<semaphore_mem>>)
    %dma_start3A_60 = tpu.memref_slice %arg3[%mul3A_50] : memref<102400xi32, #tpu.memory_space<hbm>> -> memref<3200xi32, #tpu.memory_space<hbm>>
    %dma_start3A_61 = tpu.memref_slice %arg3[%mul3A_50] : memref<102400xi32, #tpu.memory_space<hbm>> -> memref<3200xi32, #tpu.memory_space<hbm>>
    tpu.enqueue_dma source(%dma_start3A_61 : memref<3200xi32, #tpu.memory_space<hbm>>) target(%arg10 : memref<3200xi32, #tpu.memory_space<vmem>>) target_semaphore(%arg16 : memref<!tpu.dma_semaphore, #tpu.memory_space<semaphore_mem>>)
    %dma_wait3A = arith.constant 0 : i32
    %dma_wait3A_62 = tpu.memref_slice %arg2[%dma_wait3A, %mul3A_50] : memref<2x102400xf32, #tpu.memory_space<hbm>> -> memref<1x3200xf32, #tpu.memory_space<hbm>>
    %dma_wait3A_63 = tpu.memref_squeeze %dma_wait3A_62 : memref<1x3200xf32, #tpu.memory_space<hbm>> -> memref<3200xf32, #tpu.memory_space<hbm>>
    %dma_wait3A_64 = tpu.memref_slice %arg2[%dma_wait3A, %mul3A_50] : memref<2x102400xf32, #tpu.memory_space<hbm>> -> memref<1x3200xf32, #tpu.memory_space<hbm>>
    %dma_wait3A_65 = tpu.memref_squeeze %dma_wait3A_64 : memref<1x3200xf32, #tpu.memory_space<hbm>> -> memref<3200xf32, #tpu.memory_space<hbm>>
    tpu.wait_dma2 semaphore(%arg16 : memref<!tpu.dma_semaphore, #tpu.memory_space<semaphore_mem>>) src(%dma_wait3A_65 : memref<3200xf32, #tpu.memory_space<hbm>>) dst(%arg6 : memref<3200xf32, #tpu.memory_space<vmem>>)
    %dma_wait3A_66 = arith.constant 1 : i32
    %dma_wait3A_67 = tpu.memref_slice %arg2[%dma_wait3A_66, %mul3A_50] : memref<2x102400xf32, #tpu.memory_space<hbm>> -> memref<1x3200xf32, #tpu.memory_space<hbm>>
    %dma_wait3A_68 = tpu.memref_squeeze %dma_wait3A_67 : memref<1x3200xf32, #tpu.memory_space<hbm>> -> memref<3200xf32, #tpu.memory_space<hbm>>
    %dma_wait3A_69 = tpu.memref_slice %arg2[%dma_wait3A_66, %mul3A_50] : memref<2x102400xf32, #tpu.memory_space<hbm>> -> memref<1x3200xf32, #tpu.memory_space<hbm>>
    %dma_wait3A_70 = tpu.memref_squeeze %dma_wait3A_69 : memref<1x3200xf32, #tpu.memory_space<hbm>> -> memref<3200xf32, #tpu.memory_space<hbm>>
    tpu.wait_dma2 semaphore(%arg16 : memref<!tpu.dma_semaphore, #tpu.memory_space<semaphore_mem>>) src(%dma_wait3A_70 : memref<3200xf32, #tpu.memory_space<hbm>>) dst(%arg7 : memref<3200xf32, #tpu.memory_space<vmem>>)
    %dma_wait3A_71 = tpu.memref_slice %arg3[%mul3A_50] : memref<102400xi32, #tpu.memory_space<hbm>> -> memref<3200xi32, #tpu.memory_space<hbm>>
    %dma_wait3A_72 = tpu.memref_slice %arg3[%mul3A_50] : memref<102400xi32, #tpu.memory_space<hbm>> -> memref<3200xi32, #tpu.memory_space<hbm>>
    tpu.wait_dma2 semaphore(%arg16 : memref<!tpu.dma_semaphore, #tpu.memory_space<semaphore_mem>>) src(%dma_wait3A_72 : memref<3200xi32, #tpu.memory_space<hbm>>) dst(%arg10 : memref<3200xi32, #tpu.memory_space<vmem>>)
    %parallel_loop3A = arith.constant 0 : i32
    %parallel_loop3A_73 = arith.constant 200 : i32
    %parallel_loop3A_74 = arith.constant 1 : i32
    scf.for %parallel_loop3A_89 = %parallel_loop3A to %parallel_loop3A_73 step %parallel_loop3A_74  : i32 {
      %parallel_loop3A_90 = arith.constant 16 : i32
      %parallel_loop3A_91 = arith.muli %parallel_loop3A_89, %parallel_loop3A_90 : i32
      %parallel_loop3A_92 = arith.index_cast %parallel_loop3A_91 : i32 to index
      %parallel_loop3A_93 = tpu.vector_load %arg6[%parallel_loop3A_92] {strides = array<i32>} : memref<3200xf32, #tpu.memory_space<vmem>>, vector<16xf32>,
      %parallel_loop3A_94 = vector.shape_cast %parallel_loop3A_93 : vector<16xf32> to vector<16xf32>
      %parallel_loop3A_95 = arith.index_cast %parallel_loop3A_91 : i32 to index
      %parallel_loop3A_96 = tpu.vector_load %arg7[%parallel_loop3A_95] {strides = array<i32>} : memref<3200xf32, #tpu.memory_space<vmem>>, vector<16xf32>,
      %parallel_loop3A_97 = vector.shape_cast %parallel_loop3A_96 : vector<16xf32> to vector<16xf32>
      %parallel_loop3A_98 = arith.addf %parallel_loop3A_94, %parallel_loop3A_97 : vector<16xf32>
      %parallel_loop3A_99 = arith.constant 0.000000e+00 : f32
      %parallel_loop3A_100 = vector.broadcast %parallel_loop3A_99 : f32 to vector<16xf32>
      %parallel_loop3A_101 = arith.maximumf %parallel_loop3A_98, %parallel_loop3A_100 : vector<16xf32>
      %parallel_loop3A_102 = arith.index_cast %parallel_loop3A_91 : i32 to index
      %parallel_loop3A_103 = tpu.vector_load %arg8[%parallel_loop3A_102] {strides = array<i32>} : memref<3200xf32, #tpu.memory_space<vmem>>, vector<16xf32>,
      %parallel_loop3A_104 = vector.shape_cast %parallel_loop3A_103 : vector<16xf32> to vector<16xf32>
      %parallel_loop3A_105 = vector.shape_cast %parallel_loop3A_101 : vector<16xf32> to vector<16xf32>
      tpu.vector_store %arg8[%parallel_loop3A_102], %parallel_loop3A_105 {strides = array<i32>} : memref<3200xf32, #tpu.memory_space<vmem>>, vector<16xf32>,
      %parallel_loop3A_106 = arith.constant 1.000000e+00 : f32
      %parallel_loop3A_107 = vector.broadcast %parallel_loop3A_106 : f32 to vector<16xf32>
      %parallel_loop3A_108 = arith.index_cast %parallel_loop3A_91 : i32 to index
      %parallel_loop3A_109 = tpu.vector_load %arg9[%parallel_loop3A_108] {strides = array<i32>} : memref<3200xf32, #tpu.memory_space<vmem>>, vector<16xf32>,
      %parallel_loop3A_110 = vector.shape_cast %parallel_loop3A_109 : vector<16xf32> to vector<16xf32>
      %parallel_loop3A_111 = vector.shape_cast %parallel_loop3A_107 : vector<16xf32> to vector<16xf32>
      tpu.vector_store %arg9[%parallel_loop3A_108], %parallel_loop3A_111 {strides = array<i32>} : memref<3200xf32, #tpu.memory_space<vmem>>, vector<16xf32>,
    } {sc.loop_unroll_factor = 8 : i64, sc.parallel_access}
    %dma_start3A_75 = arith.constant 0 : i32
    %dma_start3A_76 = tpu.memref_slice %arg12[%dma_start3A_75] : memref<128xf32, #tpu.memory_space<vmem_shared>> -> memref<128xf32, #tpu.memory_space<vmem_shared>>
    tpu.enqueue_indirect_dma source(%arg8 : memref<3200xf32, #tpu.memory_space<vmem>>) target(%dma_start3A_76 : memref<128xf32, #tpu.memory_space<vmem_shared>>) offsets(%arg10 : memref<3200xi32, #tpu.memory_space<vmem>>) semaphore(%arg14 : memref<!tpu.dma_semaphore, #tpu.memory_space<semaphore_mem>>) {add = true}
    %dma_start3A_77 = arith.constant 0 : i32
    %dma_start3A_78 = tpu.memref_slice %arg13[%dma_start3A_77] : memref<128xf32, #tpu.memory_space<vmem_shared>> -> memref<128xf32, #tpu.memory_space<vmem_shared>>
    tpu.enqueue_indirect_dma source(%arg9 : memref<3200xf32, #tpu.memory_space<vmem>>) target(%dma_start3A_78 : memref<128xf32, #tpu.memory_space<vmem_shared>>) offsets(%arg10 : memref<3200xi32, #tpu.memory_space<vmem>>) semaphore(%arg15 : memref<!tpu.dma_semaphore, #tpu.memory_space<semaphore_mem>>) {add = true}
    %dma_wait3A_79 = arith.constant 0 : i32
    %dma_wait3A_80 = tpu.memref_slice %arg12[%dma_wait3A_79] : memref<128xf32, #tpu.memory_space<vmem_shared>> -> memref<128xf32, #tpu.memory_space<vmem_shared>>
    tpu.wait_indirect_dma semaphore(%arg14 : memref<!tpu.dma_semaphore, #tpu.memory_space<semaphore_mem>>) src(%arg8 : memref<3200xf32, #tpu.memory_space<vmem>>) dst(%dma_wait3A_80 : memref<128xf32, #tpu.memory_space<vmem_shared>>)
    %dma_wait3A_81 = arith.constant 0 : i32
    %dma_wait3A_82 = tpu.memref_slice %arg13[%dma_wait3A_81] : memref<128xf32, #tpu.memory_space<vmem_shared>> -> memref<128xf32, #tpu.memory_space<vmem_shared>>
    tpu.wait_indirect_dma semaphore(%arg15 : memref<!tpu.dma_semaphore, #tpu.memory_space<semaphore_mem>>) src(%arg9 : memref<3200xf32, #tpu.memory_space<vmem>>) dst(%dma_wait3A_82 : memref<128xf32, #tpu.memory_space<vmem_shared>>)
    %barrier3A_83 = arith.constant 0 : index
    tpu.barrier barrier_id(%barrier3A_83)
    %eq3A_84 = arith.constant 0 : i32
    %eq3A_85 = arith.cmpi eq, %arg1, %eq3A_84 : i32
    %convert_element_type3A_86 = arith.extui %eq3A_85 : i1 to i32
    %cond3A_87 = arith.constant 0 : i32
    %cond3A_88 = arith.cmpi ne, %convert_element_type3A_86, %cond3A_87 : i32
    scf.if %cond3A_88 {
      "tpu.region"() ({
        %run_scoped3A = tpu.sem_alloc : memref<!tpu.dma_semaphore, #tpu.memory_space<semaphore_mem>>
        tpu.enqueue_dma source(%arg12 : memref<128xf32, #tpu.memory_space<vmem_shared>>) target(%arg11 : memref<128xf32, #tpu.memory_space<vmem>>) target_semaphore(%run_scoped3A : memref<!tpu.dma_semaphore, #tpu.memory_space<semaphore_mem>>)
        tpu.wait_dma2 semaphore(%run_scoped3A : memref<!tpu.dma_semaphore, #tpu.memory_space<semaphore_mem>>) src(%arg12 : memref<128xf32, #tpu.memory_space<vmem_shared>>) dst(%arg11 : memref<128xf32, #tpu.memory_space<vmem>>)
        tpu.yield
      }) : () -> ()
      "tpu.region"() ({
        %run_scoped3A = tpu.sem_alloc : memref<!tpu.dma_semaphore, #tpu.memory_space<semaphore_mem>>
        %dma_start3A_89 = arith.constant 0 : i32
        %dma_start3A_90 = tpu.memref_slice %arg4[%arg0, %dma_start3A_89] : memref<2x128xf32, #tpu.memory_space<hbm>> -> memref<1x128xf32, #tpu.memory_space<hbm>>
        %dma_start3A_91 = tpu.memref_squeeze %dma_start3A_90 : memref<1x128xf32, #tpu.memory_space<hbm>> -> memref<128xf32, #tpu.memory_space<hbm>>
        %dma_start3A_92 = arith.constant 0 : i32
        %dma_start3A_93 = tpu.memref_slice %arg4[%arg0, %dma_start3A_92] : memref<2x128xf32, #tpu.memory_space<hbm>> -> memref<1x128xf32, #tpu.memory_space<hbm>>
        %dma_start3A_94 = tpu.memref_squeeze %dma_start3A_93 : memref<1x128xf32, #tpu.memory_space<hbm>> -> memref<128xf32, #tpu.memory_space<hbm>>
        tpu.enqueue_dma source(%arg11 : memref<128xf32, #tpu.memory_space<vmem>>) target(%dma_start3A_94 : memref<128xf32, #tpu.memory_space<hbm>>) target_semaphore(%run_scoped3A : memref<!tpu.dma_semaphore, #tpu.memory_space<semaphore_mem>>)
        %dma_wait3A_95 = arith.constant 0 : i32
        %dma_wait3A_96 = tpu.memref_slice %arg4[%arg0, %dma_wait3A_95] : memref<2x128xf32, #tpu.memory_space<hbm>> -> memref<1x128xf32, #tpu.memory_space<hbm>>
        %dma_wait3A_97 = tpu.memref_squeeze %dma_wait3A_96 : memref<1x128xf32, #tpu.memory_space<hbm>> -> memref<128xf32, #tpu.memory_space<hbm>>
        %dma_wait3A_98 = arith.constant 0 : i32
        %dma_wait3A_99 = tpu.memref_slice %arg4[%arg0, %dma_wait3A_98] : memref<2x128xf32, #tpu.memory_space<hbm>> -> memref<1x128xf32, #tpu.memory_space<hbm>>
        %dma_wait3A_100 = tpu.memref_squeeze %dma_wait3A_99 : memref<1x128xf32, #tpu.memory_space<hbm>> -> memref<128xf32, #tpu.memory_space<hbm>>
        tpu.wait_dma2 semaphore(%run_scoped3A : memref<!tpu.dma_semaphore, #tpu.memory_space<semaphore_mem>>) src(%arg11 : memref<128xf32, #tpu.memory_space<vmem>>) dst(%dma_wait3A_100 : memref<128xf32, #tpu.memory_space<hbm>>)
        tpu.yield
      }) : () -> ()
      "tpu.region"() ({
        %run_scoped3A = tpu.sem_alloc : memref<!tpu.dma_semaphore, #tpu.memory_space<semaphore_mem>>
        tpu.enqueue_dma source(%arg13 : memref<128xf32, #tpu.memory_space<vmem_shared>>) target(%arg11 : memref<128xf32, #tpu.memory_space<vmem>>) target_semaphore(%run_scoped3A : memref<!tpu.dma_semaphore, #tpu.memory_space<semaphore_mem>>)
        tpu.wait_dma2 semaphore(%run_scoped3A : memref<!tpu.dma_semaphore, #tpu.memory_space<semaphore_mem>>) src(%arg13 : memref<128xf32, #tpu.memory_space<vmem_shared>>) dst(%arg11 : memref<128xf32, #tpu.memory_space<vmem>>)
        tpu.yield
      }) : () -> ()
      "tpu.region"() ({
        %run_scoped3A = tpu.sem_alloc : memref<!tpu.dma_semaphore, #tpu.memory_space<semaphore_mem>>
        %dma_start3A_89 = arith.constant 0 : i32
        %dma_start3A_90 = tpu.memref_slice %arg5[%arg0, %dma_start3A_89] : memref<2x128xf32, #tpu.memory_space<hbm>> -> memref<1x128xf32, #tpu.memory_space<hbm>>
        %dma_start3A_91 = tpu.memref_squeeze %dma_start3A_90 : memref<1x128xf32, #tpu.memory_space<hbm>> -> memref<128xf32, #tpu.memory_space<hbm>>
        %dma_start3A_92 = arith.constant 0 : i32
        %dma_start3A_93 = tpu.memref_slice %arg5[%arg0, %dma_start3A_92] : memref<2x128xf32, #tpu.memory_space<hbm>> -> memref<1x128xf32, #tpu.memory_space<hbm>>
        %dma_start3A_94 = tpu.memref_squeeze %dma_start3A_93 : memref<1x128xf32, #tpu.memory_space<hbm>> -> memref<128xf32, #tpu.memory_space<hbm>>
        tpu.enqueue_dma source(%arg11 : memref<128xf32, #tpu.memory_space<vmem>>) target(%dma_start3A_94 : memref<128xf32, #tpu.memory_space<hbm>>) target_semaphore(%run_scoped3A : memref<!tpu.dma_semaphore, #tpu.memory_space<semaphore_mem>>)
        %dma_wait3A_95 = arith.constant 0 : i32
        %dma_wait3A_96 = tpu.memref_slice %arg5[%arg0, %dma_wait3A_95] : memref<2x128xf32, #tpu.memory_space<hbm>> -> memref<1x128xf32, #tpu.memory_space<hbm>>
        %dma_wait3A_97 = tpu.memref_squeeze %dma_wait3A_96 : memref<1x128xf32, #tpu.memory_space<hbm>> -> memref<128xf32, #tpu.memory_space<hbm>>
        %dma_wait3A_98 = arith.constant 0 : i32
        %dma_wait3A_99 = tpu.memref_slice %arg5[%arg0, %dma_wait3A_98] : memref<2x128xf32, #tpu.memory_space<hbm>> -> memref<1x128xf32, #tpu.memory_space<hbm>>
        %dma_wait3A_100 = tpu.memref_squeeze %dma_wait3A_99 : memref<1x128xf32, #tpu.memory_space<hbm>> -> memref<128xf32, #tpu.memory_space<hbm>>
        tpu.wait_dma2 semaphore(%run_scoped3A : memref<!tpu.dma_semaphore, #tpu.memory_space<semaphore_mem>>) src(%arg11 : memref<128xf32, #tpu.memory_space<vmem>>) dst(%dma_wait3A_100 : memref<128xf32, #tpu.memory_space<hbm>>)
        tpu.yield
      }) : () -> ()
    } else {
    }
    return
  }
}

</mosaic_0001>

<sc_bundles>
// kernel: kernel.4.cloned.1.call-start
scs
__scs_entry_jumppad:
0x0: {  	(pc) =	sbr.rel $0x88, $3  }
0x1: {  	(tag) =	ssettag $0x0;
	lr =	simm.s32 $0x1  }
0x2: {  	[smem:$0x3F9C] =	sst lr;
	_ =	strace $0xD0000000  }
0x3: {  	_ = 	snop  }
0x4: {  	_ = 	snop  }
0x5: {  	_ = 	snop  }
0x6: {  	_ = 	snop  }
0x7: {  	_ = 	snop  }
__scs_overlays_trampoline_lowered:
0x8: {  	[smem:$0x3FAB] =	sst s0  }
0x9: {  	[smem:$0x3FAC] =	sst s1  }
0xa: {  	[smem:$0x3FAD] =	sst s2  }
0xb: {  	[smem:$0x3FAE] =	sst s3  }
0xc: {  	[smem:$0x3FAF] =	sst s4  }
0xd: {  	[smem:$0x3FB0] =	sst s5  }
0xe: {  	[smem:$0x3FB1] =	sst s6  }
0xf: {  	[smem:$0x3FB2] =	sst s7  }
0x10: {  	[smem:$0x3FB3] =	sst s8  }
0x11: {  	[smem:$0x3FB4] =	sst s9;
	s0 =	simm.s32 @!p0 $0x0  }
0x12: {  	s1 =	sld [smem:$0x3F9A];
	s0 =	simm.s32 @p0 $0x1  }
0x13: {  	[smem:$0x3FB5] =	sst s0;
	s0 =	simm.s32 @!p1 $0x0  }
0x14: {  	s2 =	sld [smem:$0x3F99];
	s0 =	simm.s32 @p1 $0x1  }
0x15: {  	[smem:$0x3FB6] =	sst s0;
	s0 =	simm.s32 @!p2 $0x0  }
0x16: {  	s3 =	sld [smem:$0x3FDB];
	s0 =	simm.s32 @p2 $0x1  }
0x17: {  	s4 =	simm.s32 $0x1BF5;
	[smem:$0x3FB8] =	sst s0  }
0x18: {  	s0 =	sld [smem:$0x3F9B];
	_ =	swait.ge [sflag:s4], $0x0  }
0x19: {  	s7 =	sld [smem:$0x3F9C]  }
0x1a: {  	s8 =	sadd.s32 $0xFFFFE003, lr  }
0x1b: {  	s9 =	sadd.s32 $0xFFFFFEF7, lr;
	s5 =	simm.s32 $0xFFFFFFFF;
	p2 =	slt.u32 s8, $0xFFFFF086  }
0x1c: {  	p1 =	slt.u32 s9, $0xF7A;
	s5 =	simm.s32 @!p2 $0x0  }
0x1d: {  	s5 =	simm.s32 @p1 $0x1;
	p0 =	seq.s32 s7, s2  }
0x1e: {  	s7 =	smul.u32 @!p0 $0xF7A, s2;
	p2 =	seq.s32 @!p0 s5, $0x0  }
0x1f: {  	s9 =	smul.u32 $0xF7A, s1;
	s8 =	simm.s32 @!p0 $0x1BF5;
	p2 =	por !p2, p0  }
0x20: {  	[sflag:s8] =	ssyncset.s32 @!p0 $0xFFFFF086;
	s6 =	sadd.s32 @!p0 s3, s7;
	s7 =	simm.s32 @!p0 $0x108  }
0x21: {  	s3 =	sadd.s32 s3, s9;
	s6 =	sadd.s32 @!p0 $0x88, s6;
	s7 =	simm.s32 @p2 $0x1082  }
0x22: {  	[simem:s7], [sflag:s8] =	dma.local @!p0 [hbm:s6], $0xF7A  }
0x23: {  	s9 =	sor.u32 $0xD0000000, s2;
	s6 =	simm.s32 $0x108;
	_ =	swait.ge @!p0 [sflag:s8], $0x0  }
0x24: {  	s3 =	sadd.s32 $0x88, s3;
	s6 =	simm.s32 @!p1 $0x1082;
	[sflag:s4] =	ssyncset.s32 $0xFFFFF086  }
0x25: {  	[simem:s6], [sflag:s4] =	dma.local [hbm:s3], $0xF7A  }
0x26: {  	[smem:$0x3F9C] =	sst s1;
	(tag) =	ssettag s2;
	_ =	strace s9  }
0x27: {  	s1 =	sld [smem:$0x3FAC]  }
0x28: {  	s2 =	sld [smem:$0x3FAD]  }
0x29: {  	s4 =	sld [smem:$0x3FAF]  }
0x2a: {  	p0 =	seq.s32 s5, $0x0;
	s5 =	sld [smem:$0x3FB0]  }
0x2b: {  	s6 =	sld [smem:$0x3FB1]  }
0x2c: {  	s7 =	sld [smem:$0x3FB2]  }
0x2d: {  	s3 =	simm.s32 $0x108;
	s8 =	sld [smem:$0x3FB3]  }
0x2e: {  	s3 =	simm.s32 @!p0 $0x1082;
	s9 =	sld [smem:$0x3FB4]  }
0x2f: {  	lr =	sadd.s32 s0, s3;
	s0 =	sld [smem:$0x3FAB]  }
0x30: {  	s3 =	sld [smem:$0x3FAE]  }
0x31: {  	[smem:$0x3FB7] =	sst s10  }
0x32: {  	s10 =	sld [smem:$0x3FB5];
	_ =	sdelay $0x3  }
0x33: {  	p0 =	seq.s32 s10, $0x1;
	s10 =	sld [smem:$0x3FB7];
	_ =	sdelay $0x3  }
0x34: {  	[smem:$0x3FB7] =	sst s10  }
0x35: {  	s10 =	sld [smem:$0x3FB6];
	_ =	sdelay $0x3  }
0x36: {  	p1 =	seq.s32 s10, $0x1;
	s10 =	sld [smem:$0x3FB7];
	_ =	sdelay $0x3  }
0x37: {  	[smem:$0x3FB7] =	sst s10  }
0x38: {  	s10 =	sld [smem:$0x3FB8]  }
0x39: {  	_ = 	snop;
	(pc) =	sbr.ind lr, $3  }
0x3a: {  	_ = 	snop  }
0x3b: {  	_ = 	snop  }
0x3c: {  	p2 =	seq.s32 s10, $0x1;
	s10 =	sld [smem:$0x3FB7]  }
0x3d: {  	_ =	shalt  }
0x3e: {  	_ =	shalt  }
0x3f: {  	_ =	shalt  }
0x40: {  	_ =	shalt  }
0x41: {  	_ =	shalt  }
0x42: {  	_ =	shalt  }
0x43: {  	_ =	shalt  }
0x44: {  	_ =	shalt  }
0x45: {  	_ =	shalt  }
0x46: {  	_ =	shalt  }
0x47: {  	_ =	shalt  }
0x48: {  	_ =	shalt  }
0x49: {  	_ =	shalt  }
0x4a: {  	_ =	shalt  }
0x4b: {  	_ =	shalt  }
0x4c: {  	_ =	shalt  }
0x4d: {  	_ =	shalt  }
0x4e: {  	_ =	shalt  }
0x4f: {  	_ =	shalt  }
0x50: {  	_ =	shalt  }
0x51: {  	_ =	shalt  }
0x52: {  	_ =	shalt  }
0x53: {  	_ =	shalt  }
0x54: {  	_ =	shalt  }
0x55: {  	_ =	shalt  }
0x56: {  	_ =	shalt  }
0x57: {  	_ =	shalt  }
0x58: {  	_ =	shalt  }
0x59: {  	_ =	shalt  }
0x5a: {  	_ =	shalt  }
0x5b: {  	_ =	shalt  }
0x5c: {  	_ =	shalt  }
0x5d: {  	_ =	shalt  }
0x5e: {  	_ =	shalt  }
0x5f: {  	_ =	shalt  }
0x60: {  	_ =	shalt  }
0x61: {  	_ =	shalt  }
0x62: {  	_ =	shalt  }
0x63: {  	_ =	shalt  }
0x64: {  	_ =	shalt  }
0x65: {  	_ =	shalt  }
0x66: {  	_ =	shalt  }
0x67: {  	_ =	shalt  }
0x68: {  	_ =	shalt  }
0x69: {  	_ =	shalt  }
0x6a: {  	_ =	shalt  }
0x6b: {  	_ =	shalt  }
0x6c: {  	_ =	shalt  }
0x6d: {  	_ =	shalt  }
0x6e: {  	_ =	shalt  }
0x6f: {  	_ =	shalt  }
0x70: {  	_ =	shalt  }
0x71: {  	_ =	shalt  }
0x72: {  	_ =	shalt  }
0x73: {  	_ =	shalt  }
0x74: {  	_ =	shalt  }
0x75: {  	_ =	shalt  }
0x76: {  	_ =	shalt  }
0x77: {  	_ =	shalt  }
0x78: {  	_ =	shalt  }
0x79: {  	_ =	shalt  }
0x7a: {  	_ =	shalt  }
0x7b: {  	_ =	shalt  }
0x7c: {  	_ =	shalt  }
0x7d: {  	_ =	shalt  }
0x7e: {  	_ =	shalt  }
0x7f: {  	_ =	shalt  }
0x80: {  	_ =	shalt  }
0x81: {  	_ =	shalt  }
0x82: {  	_ =	shalt  }
0x83: {  	_ =	shalt  }
0x84: {  	_ =	shalt  }
0x85: {  	_ =	shalt  }
0x86: {  	_ =	shalt  }
0x87: {  	_ =	shalt  }
.Lfunc_end0:
.L_simem_size_0:
called_computation_lowered:
.L_overlay_start_0:
0x88: {  	s2 =	sld [smem:$0x3FD9]  }
0x89: {  	s3 =	sld [smem:$0x3FFE];
	_ =	sdelay $0x1  }
0x8a: {  	s1 =	srdreg.scid  }
0x8b: {  	s0 =	sand.u32 $0x1, s1  }
0x8c: {  	s17 =	sshll.u32 s0, $0xA;
	s2 =	sadd.s32 s3, s2  }
0x8d: {  	s2 =	sadd.s32 s2, s17  }
0x8e: {  	[smem:$0x3FC3] =	sst s2  }
0x8f: {  	_ = 	snop  }
0x90: {  	s2 =	sld [smem:$0x3FC8];
	(tm) =	ssettm $0x1  }
0x91: {  	s18 =	sld [smem:$0x3FFB];
	_ =	sdelay $0x3  }
0x92: {  	_ =	strace s18  }
0x93: {  	s3 =	sld [smem:$0x3FFC];
	_ =	sdelay $0x3  }
0x94: {  	_ =	strace s3  }
0x95: {  	s3 =	sld [smem:$0x3FFD];
	_ =	sdelay $0x3  }
0x96: {  	_ =	strace s3  }
0x97: {  	_ =	strace $0x8FFFFFFF  }
0x98: {  	s19 =	sld [smem:$0x3FDB];
	_ =	sdelay $0x1  }
0x99: {  	s4 =	simm.s32 $_scs_section_size  }
0x9a: {  	s5 =	simm.s32 $_size__tile_overlayer_lowered;
	s6 =	simm.s32 $_tile_overlayer_lowered  }
0x9b: {  	s22 =	simm.s32 $0x1BFF;
	s21 =	sshll.u32 s6, $0x1;
	s3 =	sadd.s32 s4, s19  }
0x9c: {  	s7 =	simm.s32 $0x0;
	s20 =	sshll.u32 s5, $0x1;
	s5 =	sadd.s32 s21, s3  }
0x9d: {  	[timem:s7], [sflag:s22] =	dma.local [hbm:s5], s20  }
0x9e: {  	_ =	swait.ge [sflag:s22], s20  }
0x9f: {  	s4 =	ssub.s32 $0x0, s20;
	[sflag:s22] =	ssyncset.done $0x0  }
0xa0: {  	[sflag:s22] =	ssyncadd.s32 s4;
	_ =	sdelay $0x1  }
0xa1: {  	s23 =	simm.s32 $0x1B8B  }
0xa2: {  	_ =	swait.ge [sflag:s23], $0x1  }
0xa3: {  	[sflag:s23] =	ssyncset.done $0x0  }
0xa4: {  	s25 =	simm.s32 $0x1B8E;
	s24 =	sld [smem:$0x3FFE];
	[sflag:s23] =	ssyncadd.s32 $0xFFFFFFFF  }
0xa5: {  	s26 =	simm.s32 $execute0_lowered;
	[smem:$0x3FD2] =	sst s25  }
0xa6: {  	s5 =	sshll.u32 s26, $0x1;
	_ =	strace $0x80000046;
	[dreg:$0x1] =	wrdreg $0xFFFFFFFF  }
0xa7: {  	s28 =	simm.s32 $_size_execute0_lowered;
	s3 =	sadd.s32 s3, s5;
	[dreg:$0x0] =	wrdreg $0x0  }
0xa8: {  	s5 =	sshll.u32 s28, $0x1;
	[dreg:$0x2] =	wrdreg s3  }
0xa9: {  	[dreg:$0x3] =	wrdreg s5  }
0xaa: {  	[dreg:$0x4] =	wrdreg $0xC0  }
0xab: {  	_ =	task [dreg:s7], $0x5FFFF  }
0xac: {  	[dreg:$0x1] =	wrdreg $0xFFFFFFFF  }
0xad: {  	[dreg:$0x0] =	wrdreg $0x60  }
0xae: {  	[dreg:$0x2] =	wrdreg s2  }
0xaf: {  	[dreg:$0x3] =	wrdreg s24  }
0xb0: {  	[dreg:$0x4] =	wrdreg $0x1E7000  }
0xb1: {  	[dreg:$0x5] =	wrdreg $0x9  }
0xb2: {  	_ =	task.clear_ibuf [dreg:s7], $0x6FFFF;
	_ =	strace $0x90000046  }
0xb3: {  	s29 =	simm.s32 $0x9;
	_ =	strace $0x80000048  }
0xb4: {  	_ =	swait.ge [sflag:s29], $0x1  }
0xb5: {  	[sflag:s29] =	ssyncadd.s32 $0xFFFFFFFF  }
0xb6: {  	_ =	strace $0x90000048  }
0xb7: {  	_ =	sfence  }
0xb8: {  	s30 =	sld [smem:$0x0];
	_ =	sdelay $0x2  }
0xb9: {  	s31 =	sshll.u32 s1, $0xD;
	s1 =	sshrl.u32 s1, $0x2  }
0xba: {  	s3 =	sand.u32 $0x4000, s31;
	s1 =	sadd.s32 s1, s30  }
0xbb: {  	s0 =	sor.u32 s3, s0;
	s1 =	sshll.u32 s1, $0x11  }
0xbc: {  	s0 =	sor.u32 s1, s0  }
0xbd: {  	s0 =	sadd.s32 $0x8F2B, s0  }
0xbe: {  	[sflag:s0] =	ssyncadd.remote.s32 $0x1  }
0xbf: {  	_ =	sfence.sel $0xFFFF  }
0xc0: {  	[dreg:$0x0] =	wrdreg $0xFFFFFFFF;
	(pc) =	sbr.abs _section_cstart, $3  }
0xc1: {  	[dreg:$0x1] =	wrdreg $0xFFFFFFFF  }
0xc2: {  	_ =	task.clear_ibuf [dreg:s7], $0x2FFFF;
	_ =	strace $0x9FFFFFFF  }
0xc3: {  	(tm) =	ssettm $0x7FFFFFFF  }
tec
execute0_lowered:
.L_overlay_start_1:
0x0: {  	(tag) =	ssettag $0x1  }
0x1: {  	s1 =	rddreg [dreg:$0x0]  }
0x2: {  	s0 =	rddreg [dreg:$0x1]  }
0x3: {  	s2 =	rddreg [dreg:$0x2];
	s3 =	simm.s32 $0x0  }
0x4: {  	s4 =	srdreg.scid;
	s13 =	stileid.u32;
	s29 =	simm.s32 $0x6  }
0x5: {  	s30 =	simm.s32 $0x7;
	s31 =	simm.s32 $0x8;
	s28 =	simm.s32 $0x1CF00  }
0x6: {  	[smem:$0x7FF] =	sst s3;
	s4 =	sand.u32 $0x1, s4;
	s5 =	sadd.s32 $0xC00, s0  }
0x7: {  	s7 =	sshll.u32 s13, $0x1;
	s8 =	smul.u32 $0x1900, s13;
	s0 =	sadd.s32 $0x3E00, s0  }
0x8: {  	s17 =	smul.u32 $0x3200, s13;
	_ =	strace $0x80000047;
	s25 =	ssub.s32 $0x2, s4  }
0x9: {  	[dreg:$0x4] =	wrdreg s5;
	s6 =	sshrl.u32 s25, $0x1;
	s15 =	sadd.s32 s8, s2  }
0xa: {  	s26 =	sadd.s32 $0x800, s8;
	s10 =	sadd.s32 $0x1000, s8;
	s8 =	sadd.s32 $0x1800, s8  }
0xb: {  	s5 =	ssub.s32 s25, s6;
	s6 =	sor.u32 s4, s7;
	s19 =	sadd.s32 s26, s2  }
0xc: {  	s12 =	sadd.s32 s10, s2;
	s14 =	sadd.s32 s8, s2;
	s4 =	sshll.u32 s4, $0x7  }
0xd: {  	s7 =	sshll.u32 s26, $0x1;
	s10 =	sshll.u32 s10, $0x1;
	[dreg:$0x5] =	wrdreg s15  }
0xe: {  	s8 =	sshll.u32 s8, $0x1;
	s9 =	smul.u32 $0x61, s6;
	[dreg:$0x7] =	wrdreg s12  }
0xf: {  	s11 =	smin.u32 s6, $0x15;
	[dreg:$0x8] =	wrdreg s14;
	p0 =	slt.u32 s6, $0x15  }
0x10: {  	s12 =	simm.s32 $0x62;
	s7 =	sor.u32 s4, s7;
	s10 =	sor.u32 s4, s10  }
0x11: {  	s26 =	smax.u32 s5, $0x1;
	s5 =	simm.s32 $0x100;
	s14 =	simm.s32 $0x0  }
0x12: {  	[dreg:$0x6] =	wrdreg s19;
	s12 =	simm.s32 @!p0 $0x61;
	s7 =	sshrl.u32 s7, $0x3  }
0x13: {  	s25 =	sshrl.u32 s10, $0x3;
	p0 =	sgt.u32 s6, $0x14;
	[dreg:$0x13] =	wrdreg s26  }
0x14: {  	s10 =	simm.s32 $0x9;
	s6 =	simm.s32 $0x5;
	s9 =	sadd.s32 s11, s9  }
0x15: {  	s11 =	sor.u32 s4, s17;
	s4 =	sor.u32 s4, s8;
	s17 =	sadd.s32 $0xFFFFFFFC, s12  }
0x16: {  	s7 =	sadd.s32 s0, s7;
	s16 =	sshll.u32 s9, $0x9;
	s11 =	sshrl.u32 s11, $0x3  }
0x17: {  	[dreg:$0x10] =	wrdreg s7;
	s4 =	sshrl.u32 s4, $0x3;
	s7 =	sadd.s32 s0, s25  }
0x18: {  	s26 =	sadd.s32 $0x2, s9;
	s16 =	sadd.s32 s1, s16;
	[dreg:$0x11] =	wrdreg s7  }
0x19: {  	s25 =	simm.s32 $0x1DF00;
	s24 =	sadd.s32 s0, s11;
	[dreg:$0x9] =	wrdreg s16  }
0x1a: {  	s0 =	sadd.s32 s0, s4;
	s4 =	simm.s32 $0x80;
	[dreg:$0xf] =	wrdreg s24  }
0x1b: {  	s11 =	simm.s32 $0x4;
	s18 =	sadd.s32 $0x10, s16;
	[dreg:$0x12] =	wrdreg s0  }
0x1c: {  	s7 =	simm.s32 $0x1D700;
	s20 =	sadd.s32 $0x200, s16;
	[dreg:$0xa] =	wrdreg s18  }
.Ltmp0:
0x1d: {  	s21 =	sadd.s32 $0x210, s16;
	[dreg:$0xb] =	wrdreg s20;
	(pc) =	sbr.rel .LBB2_1-.Ltmp0, $4  }
0x1e: {  	s22 =	sadd.s32 $0x400, s16;
	s23 =	sadd.s32 $0x410, s16;
	[dreg:$0xc] =	wrdreg s21  }
0x1f: {  	s24 =	sadd.s32 $0x1, s9;
	s16 =	simm.s32 $0x2;
	[dreg:$0xd] =	wrdreg s22  }
0x20: {  	[dreg:$0xe] =	wrdreg s23;
	s22 =	sadd.s32 $0xFFFFFFFB, s12;
	s23 =	sadd.s32 $0xFFFFFFFA, s12  }
0x21: {  	v0 =	vimm.f32 $0.0e+00;
	s18 =	simm.s32 $0x800;
	s20 =	simm.s32 $0x1BF00;
	s21 =	simm.s32 $0x3  }
.LBB2_19:
0x22: {  	s10 =	simm.s32 $0x9  }
0x23: {  	_ =	swait.ge [sflag:s10], $0x800  }
0x24: {  	[sflag:s10] =	ssyncset.done $0x0  }
0x25: {  	[sflag:s10] =	ssyncadd.s32 $0xFFFFF800  }
0x26: {  	_ =	swait.ge [sflag:s29], $0x800  }
0x27: {  	[sflag:s29] =	ssyncset.done $0x0  }
0x28: {  	[sflag:s29] =	ssyncadd.s32 $0xFFFFF800  }
0x29: {  	s13 =	simm.s32 $0x1C700;
	[bflag:$0x0] =	sbarrier.arrive $0xFFFF  }
0x2a: {  	[tilespmem:s13], [sflag:$0x2] =	stream.linear.gather [spmem:s7], $0x800, $0x38;
	v63 =	vld [tilespmem:$0x0]  }
0x2b: {  	s15 =	smov.u32 s7;
	s7 =	simm.s32 $0x1CF00  }
0x2c: {  	[tilespmem:s7], [sflag:$0x3] =	stream.linear.gather [spmem:s12], $0x800, $0x38;
	v63 =	vld [tilespmem:$0x0]  }
0x2d: {  	s8 =	simm.s32 $0x1D700  }
0x2e: {  	[tilespmem:s8], [sflag:$0x4] =	stream.linear.gather [spmem:s25], $0x800, $0x38;
	v63 =	vld [tilespmem:$0x0]  }
0x2f: {  	s19 =	smov.u32 s12;
	s0 =	rddreg [dreg:$0x8];
	s12 =	simm.s32 $0x1DF00  }
0x30: {  	[tilespmem:s12], [sflag:$0x5] =	stream.linear.gather [spmem:s0], $0x100, $0x38;
	v63 =	vld [tilespmem:$0x0]  }
0x31: {  	_ =	swait.ge [sflag:s16], $0x800  }
0x32: {  	[sflag:s16] =	ssyncset.done $0x0  }
0x33: {  	[sflag:s16] =	ssyncadd.s32 $0xFFFFF800  }
0x34: {  	_ =	swait.ge [sflag:s21], $0x800  }
0x35: {  	[sflag:s21] =	ssyncset.done $0x0  }
0x36: {  	[sflag:s21] =	ssyncadd.s32 $0xFFFFF800  }
0x37: {  	_ =	swait.ge [sflag:s11], $0x800  }
0x38: {  	[sflag:s11] =	ssyncset.done $0x0  }
0x39: {  	[sflag:s11] =	ssyncadd.s32 $0xFFFFF800  }
0x3a: {  	_ =	swait.ge [sflag:s6], $0x100  }
0x3b: {  	[sflag:s6] =	ssyncset.done $0x0  }
0x3c: {  	s25 =	rddreg [dreg:$0xf];
	[sflag:s6] =	ssyncadd.s32 $0xFFFFFF00  }
0x3d: {  	[hbm4b:s25+s4] =	stream.strided.scatter [tilespmem:s13], [sflag:$0x6], $0x800, s5, s4, $0x38;
	v63 =	vld [tilespmem:$0x0]  }
0x3e: {  	s13 =	rddreg [dreg:$0x10]  }
0x3f: {  	[hbm4b:s13+s4] =	stream.strided.scatter [tilespmem:s7], [sflag:$0x7], $0x800, s5, s4, $0x38;
	v63 =	vld [tilespmem:$0x0]  }
0x40: {  	s25 =	rddreg [dreg:$0x11]  }
0x41: {  	[hbm4b:s25+s4] =	stream.strided.scatter [tilespmem:s8], [sflag:$0x8], $0x800, s5, s4, $0x38;
	v63 =	vld [tilespmem:$0x0]  }
0x42: {  	s8 =	rddreg [dreg:$0x12]  }
0x43: {  	[hbm4b:s8+s4] =	stream.strided.scatter [tilespmem:s12], [sflag:$0x9], $0x100, s5, s4, $0x38;
	v63 =	vld [tilespmem:$0x0]  }
0x44: {  	_ =	swait.ge [sflag:s29], $0x800  }
0x45: {  	[sflag:s29] =	ssyncset.done $0x0  }
0x46: {  	[sflag:s29] =	ssyncadd.s32 $0xFFFFF800  }
0x47: {  	_ =	swait.ge [sflag:s30], $0x800  }
0x48: {  	[sflag:s30] =	ssyncset.done $0x0  }
0x49: {  	[sflag:s30] =	ssyncadd.s32 $0xFFFFF800  }
0x4a: {  	_ =	swait.ge [sflag:s31], $0x800  }
0x4b: {  	[sflag:s31] =	ssyncset.done $0x0  }
0x4c: {  	[sflag:s31] =	ssyncadd.s32 $0xFFFFF800  }
0x4d: {  	_ =	swait.ge [sflag:s10], $0x100  }
0x4e: {  	s14 =	sadd.s32 $0x1, s14;
	s13 =	rddreg [dreg:$0x13]  }
0x4f: {  	p1 =	sne.s32 s14, s13  }
.Ltmp1:
0x50: {  	_ = 	snop;
	(pc) =	sbr.rel @!p1 .LBB2_20-.Ltmp1, $3  }
0x51: {  	_ =	sdelay $0x1  }
0x52: {  	s28 =	simm.s32 $0x1CF00;
	[sflag:s10] =	ssyncset.done $0x0  }
0x53: {  	s7 =	simm.s32 $0x1D700;
	s25 =	simm.s32 $0x1DF00;
	[sflag:s10] =	ssyncadd.s32 $0xFFFFFF00  }
.LBB2_1:
0x54: {  	s0 =	rddreg [dreg:$0x4]  }
0x55: {  	[tilespmem:s3], [sflag:$0x1] =	stream.linear.gather [hbm4b:s0+s3], $0x18700, $0x38;
	v63 =	vld [tilespmem:$0x0]  }
0x56: {  	[dreg:$0x14] =	wrdreg s14;
	s8 =	simm.s32 $0x0;
	s0 =	simm.s32 $0x40  }
.LBB2_2:
0x57: {  	p1 =	sne.s32 s0, $0x1FC0;
	[tilespmem:s8+$0x1C700] =	vst v0;
	s8 =	smov.u32 s0;
	s0 =	sadd.s32 $0x40, s0  }
.Ltmp2:
0x58: {  	(pc) =	sbr.rel @p1 .LBB2_2-.Ltmp2, $2  }
0x59: {  	_ =	sdelay $0x2  }
0x5a: {  	s8 =	sshra.s32 s8, $0x2  }
0x5b: {  	[tilespmem:s8+$0x1C700] =	vst v0;
	s14 =	simm.s32 $0x1C700  }
0x5c: {  	[spmem:s15] =	stream.linear.scatter [tilespmem:s14], [sflag:$0x6], $0x800, $0x38;
	v63 =	vld [tilespmem:$0x0]  }
0x5d: {  	_ = 	snop  }
0x5e: {  	[spmem:s19] =	stream.linear.scatter [tilespmem:s14], [sflag:$0x7], $0x800, $0x38;
	v63 =	vld [tilespmem:$0x0]  }
0x5f: {  	s0 =	rddreg [dreg:$0x7]  }
0x60: {  	[spmem:s0] =	stream.linear.scatter [tilespmem:s14], [sflag:$0x8], $0x800, $0x38;
	v63 =	vld [tilespmem:$0x0]  }
0x61: {  	s19 =	rddreg [dreg:$0x8]  }
0x62: {  	[spmem:s19] =	stream.linear.scatter [tilespmem:s14], [sflag:$0x9], $0x100, $0x38;
	v63 =	vld [tilespmem:$0x0]  }
0x63: {  	_ =	swait.ge [sflag:s29], $0x800  }
0x64: {  	[sflag:s29] =	ssyncset.done $0x0  }
0x65: {  	[sflag:s29] =	ssyncadd.s32 $0xFFFFF800  }
0x66: {  	_ =	swait.ge [sflag:s30], $0x800  }
0x67: {  	[sflag:s30] =	ssyncset.done $0x0  }
0x68: {  	[sflag:s30] =	ssyncadd.s32 $0xFFFFF800  }
0x69: {  	_ =	swait.ge [sflag:s31], $0x800  }
0x6a: {  	[sflag:s31] =	ssyncset.done $0x0  }
0x6b: {  	[sflag:s31] =	ssyncadd.s32 $0xFFFFF800  }
0x6c: {  	_ =	swait.ge [sflag:s10], $0x100  }
0x6d: {  	[sflag:s10] =	ssyncset.done $0x0  }
0x6e: {  	s12 =	simm.s32 $0x18700;
	[sflag:s10] =	ssyncadd.s32 $0xFFFFFF00;
	s10 =	rddreg [dreg:$0x9]  }
0x6f: {  	[tilespmem:s12], [sflag:$0x2] =	stream.strided.gather [hbm4b:s10+s4], $0x800, s5, s4, $0x38;
	v63 =	vld [tilespmem:$0x0]  }
0x70: {  	s14 =	simm.s32 $0x1A700;
	s13 =	rddreg [dreg:$0xa]  }
0x71: {  	[tilespmem:s14], [sflag:$0x2] =	stream.strided.gather [hbm4b:s13+s4], $0x800, s5, s4, $0x38;
	v63 =	vld [tilespmem:$0x0]  }
0x72: {  	s19 =	simm.s32 $0x18F00;
	s15 =	rddreg [dreg:$0xb]  }
0x73: {  	[tilespmem:s19], [sflag:$0x3] =	stream.strided.gather [hbm4b:s15+s4], $0x800, s5, s4, $0x38;
	v63 =	vld [tilespmem:$0x0]  }
0x74: {  	s8 =	rddreg [dreg:$0xc];
	s10 =	simm.s32 $0x1AF00  }
0x75: {  	[tilespmem:s10], [sflag:$0x3] =	stream.strided.gather [hbm4b:s8+s4], $0x800, s5, s4, $0x38;
	v63 =	vld [tilespmem:$0x0]  }
0x76: {  	s12 =	rddreg [dreg:$0xd];
	s13 =	simm.s32 $0x19700  }
0x77: {  	[tilespmem:s13], [sflag:$0x4] =	stream.strided.gather [hbm4b:s12+s4], $0x800, s5, s4, $0x38;
	v63 =	vld [tilespmem:$0x0]  }
0x78: {  	s14 =	rddreg [dreg:$0xe];
	s15 =	simm.s32 $0x1B700;
	s19 =	simm.s32 $0x1  }
0x79: {  	[tilespmem:s15], [sflag:$0x4] =	stream.strided.gather [hbm4b:s14+s4], $0x800, s5, s4, $0x38;
	v63 =	vld [tilespmem:$0x0]  }
0x7a: {  	_ =	swait.ge [sflag:s19], $0x18700  }
0x7b: {  	[sflag:s19] =	ssyncset.done $0x0  }
0x7c: {  	[sflag:s19] =	ssyncadd.s32 $0xFFFE7900  }
0x7d: {  	s10 =	simm.s32 $0x0;
	[bflag:$0x0] =	sbarrier.arrive $0xFFFF  }
.LBB2_4:
0x7e: {  	_ =	swait.ge [sflag:s16], $0x800  }
0x7f: {  	[sflag:s16] =	ssyncset.done $0x0  }
0x80: {  	[sflag:s16] =	ssyncadd.s32 $0xFFFFF800  }
0x81: {  	_ =	swait.ge [sflag:s16], $0x800  }
0x82: {  	[sflag:s16] =	ssyncset.done $0x0  }
0x83: {  	s0 =	simm.s32 $0x18740;
	[sflag:s16] =	ssyncadd.s32 $0xFFFFF800  }
0x84: {  	v1 =	vld [tilespmem:s0+$0x30]  }
0x85: {  	v2 =	vld [tilespmem:s0+$0xFFFFFFD0]  }
0x86: {  	v3 =	vld [tilespmem:s0+$0xFFFFFFE0]  }
0x87: {  	v4 =	vld [tilespmem:s0+$0xFFFFFFF0]  }
0x88: {  	v5 =	vld [tilespmem:s0+$0x0]  }
0x89: {  	v7 =	vld [tilespmem:s0+$0x10]  }
0x8a: {  	v8 =	vld [tilespmem:s0+$0x20]  }
0x8b: {  	v9 =	vld [tilespmem:s0+$0xFFFFFFC0]  }
0x8c: {  	v10 =	vld.idx.msk [tilespmem:v1+s3+$0x0], $0xffff  }
0x8d: {  	v11 =	vld.idx.msk [tilespmem:v2+s3+$0x0], $0xffff  }
0x8e: {  	v6 =	vld.idx.msk [tilespmem:v3+s3+$0x0], $0xffff  }
0x8f: {  	v4 =	vld.idx.msk [tilespmem:v4+s3+$0x0], $0xffff  }
0x90: {  	v1 =	vld.idx.msk [tilespmem:v5+s3+$0x0], $0xffff  }
0x91: {  	s0 =	simm.s32 $0x1C740;
	v2 =	vld.idx.msk [tilespmem:v7+s3+$0x0], $0xffff  }
0x92: {  	v3 =	vld.idx.msk [tilespmem:v8+s3+$0x0], $0xffff;
	[tilespmem:s0+$0x30] =	vst v10  }
0x93: {  	s8 =	simm.s32 $0x0;
	s14 =	simm.s32 $0x187C0;
	v5 =	vld.idx.msk [tilespmem:v9+s3+$0x0], $0xffff;
	[tilespmem:s0+$0xFFFFFFD0] =	vst v11  }
.LBB2_5:
0x94: {  	v7 =	vld [tilespmem:s14+$0x30];
	s8 =	sadd.s32 $0x8, s8;
	[tilespmem:s0+$0xFFFFFFE0] =	vst v6  }
0x95: {  	v6 =	vld [tilespmem:s14+$0xFFFFFFD0];
	p1 =	slt.u32 s8, $0x78;
	[tilespmem:s0+$0xFFFFFFF0] =	vst v4  }
0x96: {  	v4 =	vld [tilespmem:s14+$0xFFFFFFE0];
	[tilespmem:s0+$0x0] =	vst v1  }
0x97: {  	v1 =	vld [tilespmem:s14+$0xFFFFFFF0];
	[tilespmem:s0+$0x10] =	vst v2  }
0x98: {  	v2 =	vld [tilespmem:s14+$0x0];
	[tilespmem:s0+$0x20] =	vst v3  }
0x99: {  	v3 =	vld [tilespmem:s14+$0x10];
	[tilespmem:s0+$0xFFFFFFC0] =	vst v5  }
0x9a: {  	v5 =	vld [tilespmem:s14+$0x20]  }
0x9b: {  	v8 =	vld [tilespmem:s14+$0xFFFFFFC0]  }
0x9c: {  	v7 =	vld.idx.msk [tilespmem:v7+s3+$0x0], $0xffff  }
0x9d: {  	v9 =	vld.idx.msk [tilespmem:v6+s3+$0x0], $0xffff  }
0x9e: {  	v6 =	vld.idx.msk [tilespmem:v4+s3+$0x0], $0xffff  }
.Ltmp3:
0x9f: {  	v4 =	vld.idx.msk [tilespmem:v1+s3+$0x0], $0xffff;
	(pc) =	sbr.rel @p1 .LBB2_5-.Ltmp3, $4  }
0xa0: {  	v1 =	vld.idx.msk [tilespmem:v2+s3+$0x0], $0xffff  }
0xa1: {  	s0 =	sadd.s32 $0x80, s0;
	v2 =	vld.idx.msk [tilespmem:v3+s3+$0x0], $0xffff  }
0xa2: {  	v3 =	vld.idx.msk [tilespmem:v5+s3+$0x0], $0xffff;
	[tilespmem:s0+$0x30] =	vst v7  }
0xa3: {  	s14 =	sadd.s32 $0x80, s14;
	v5 =	vld.idx.msk [tilespmem:v8+s3+$0x0], $0xffff;
	[tilespmem:s0+$0xFFFFFFD0] =	vst v9  }
0xa4: {  	[tilespmem:s0+$0xFFFFFFE0] =	vst v6  }
0xa5: {  	[tilespmem:s0+$0xFFFFFFF0] =	vst v4  }
0xa6: {  	[tilespmem:s0+$0x0] =	vst v1  }
0xa7: {  	[tilespmem:s0+$0x10] =	vst v2  }
0xa8: {  	[tilespmem:s0+$0x20] =	vst v3  }
0xa9: {  	s8 =	simm.s32 $0x1A700;
	s12 =	simm.s32 $0x1C700;
	[tilespmem:s0+$0xFFFFFFC0] =	vst v5;
	s0 =	sshll.u32 s10, $0x2  }
0xaa: {  	[spmem:s2] =	stream.indirect.scatter.add.f32 [tilespmem:s12], [sflag:$0x6], $0x1, s8, s18, $0xb8;
	v63 =	vld [tilespmem:$0x0]  }
0xab: {  	p1 =	seq.s32 s10, $0x0;
	s12 =	sadd.s32 s9, s0  }
0xac: {  	s13 =	simm.s32 @!p1 $0x9;
	s8 =	sshll.u32 s12, $0x9  }
0xad: {  	_ =	swait.ge @!p1 [sflag:s13], $0x800;
	s8 =	sand.u32 $0x1FFFFE00, s8  }
0xae: {  	[sflag:s13] =	ssyncset.done @!p1 $0x0;
	s8 =	sadd.s32 s1, s8  }
0xaf: {  	s15 =	simm.s32 $0x19F00;
	[sflag:s13] =	ssyncadd.s32 @!p1 $0xFFFFF800;
	s14 =	sadd.s32 $0x600, s8  }
0xb0: {  	[tilespmem:s15], [sflag:$0x5] =	stream.strided.gather [hbm4b:s14+s4], $0x800, s5, s4, $0x38;
	v63 =	vld [tilespmem:$0x0]  }
0xb1: {  	s8 =	sadd.s32 $0x610, s8  }
0xb2: {  	[tilespmem:s20], [sflag:$0x5] =	stream.strided.gather [hbm4b:s8+s4], $0x800, s5, s4, $0x38;
	v63 =	vld [tilespmem:$0x0]  }
0xb3: {  	_ =	swait.ge [sflag:s21], $0x800  }
0xb4: {  	[sflag:s21] =	ssyncset.done $0x0  }
0xb5: {  	[sflag:s21] =	ssyncadd.s32 $0xFFFFF800  }
0xb6: {  	_ =	swait.ge [sflag:s21], $0x800  }
0xb7: {  	[sflag:s21] =	ssyncset.done $0x0  }
0xb8: {  	s19 =	simm.s32 $0x18F40;
	[sflag:s21] =	ssyncadd.s32 $0xFFFFF800  }
0xb9: {  	v1 =	vld [tilespmem:s19+$0x30]  }
0xba: {  	v2 =	vld [tilespmem:s19+$0xFFFFFFD0]  }
0xbb: {  	v3 =	vld [tilespmem:s19+$0xFFFFFFE0]  }
0xbc: {  	v4 =	vld [tilespmem:s19+$0xFFFFFFF0]  }
0xbd: {  	v6 =	vld [tilespmem:s19+$0x0]  }
0xbe: {  	v7 =	vld [tilespmem:s19+$0x10]  }
0xbf: {  	v8 =	vld [tilespmem:s19+$0x20]  }
0xc0: {  	v9 =	vld [tilespmem:s19+$0xFFFFFFC0]  }
0xc1: {  	v10 =	vld.idx.msk [tilespmem:v1+s3+$0x0], $0xffff  }
0xc2: {  	v11 =	vld.idx.msk [tilespmem:v2+s3+$0x0], $0xffff  }
0xc3: {  	v5 =	vld.idx.msk [tilespmem:v3+s3+$0x0], $0xffff  }
0xc4: {  	v4 =	vld.idx.msk [tilespmem:v4+s3+$0x0], $0xffff  }
0xc5: {  	v1 =	vld.idx.msk [tilespmem:v6+s3+$0x0], $0xffff  }
0xc6: {  	s19 =	simm.s32 $0x1CF40;
	v2 =	vld.idx.msk [tilespmem:v7+s3+$0x0], $0xffff  }
0xc7: {  	v3 =	vld.idx.msk [tilespmem:v8+s3+$0x0], $0xffff;
	[tilespmem:s19+$0x30] =	vst v10  }
0xc8: {  	s13 =	simm.s32 $0x18FC0;
	s14 =	simm.s32 $0x0;
	s8 =	sor.u32 $0x3, s0;
	v6 =	vld.idx.msk [tilespmem:v9+s3+$0x0], $0xffff;
	[tilespmem:s19+$0xFFFFFFD0] =	vst v11  }
.LBB2_7:
0xc9: {  	v7 =	vld [tilespmem:s13+$0x30];
	s14 =	sadd.s32 $0x8, s14;
	[tilespmem:s19+$0xFFFFFFE0] =	vst v5  }
0xca: {  	v5 =	vld [tilespmem:s13+$0xFFFFFFD0];
	p1 =	slt.u32 s14, $0x78;
	[tilespmem:s19+$0xFFFFFFF0] =	vst v4  }
0xcb: {  	v4 =	vld [tilespmem:s13+$0xFFFFFFE0];
	[tilespmem:s19+$0x0] =	vst v1  }
0xcc: {  	v1 =	vld [tilespmem:s13+$0xFFFFFFF0];
	[tilespmem:s19+$0x10] =	vst v2  }
0xcd: {  	v2 =	vld [tilespmem:s13+$0x0];
	[tilespmem:s19+$0x20] =	vst v3  }
0xce: {  	v3 =	vld [tilespmem:s13+$0x10];
	[tilespmem:s19+$0xFFFFFFC0] =	vst v6  }
0xcf: {  	v6 =	vld [tilespmem:s13+$0x20]  }
0xd0: {  	v8 =	vld [tilespmem:s13+$0xFFFFFFC0]  }
0xd1: {  	v7 =	vld.idx.msk [tilespmem:v7+s3+$0x0], $0xffff  }
0xd2: {  	v9 =	vld.idx.msk [tilespmem:v5+s3+$0x0], $0xffff  }
0xd3: {  	v5 =	vld.idx.msk [tilespmem:v4+s3+$0x0], $0xffff  }
.Ltmp4:
0xd4: {  	v4 =	vld.idx.msk [tilespmem:v1+s3+$0x0], $0xffff;
	(pc) =	sbr.rel @p1 .LBB2_7-.Ltmp4, $4  }
0xd5: {  	v1 =	vld.idx.msk [tilespmem:v2+s3+$0x0], $0xffff  }
0xd6: {  	s19 =	sadd.s32 $0x80, s19;
	v2 =	vld.idx.msk [tilespmem:v3+s3+$0x0], $0xffff  }
0xd7: {  	v3 =	vld.idx.msk [tilespmem:v6+s3+$0x0], $0xffff;
	[tilespmem:s19+$0x30] =	vst v7  }
0xd8: {  	s13 =	sadd.s32 $0x80, s13;
	v6 =	vld.idx.msk [tilespmem:v8+s3+$0x0], $0xffff;
	[tilespmem:s19+$0xFFFFFFD0] =	vst v9  }
0xd9: {  	[tilespmem:s19+$0xFFFFFFE0] =	vst v5  }
0xda: {  	[tilespmem:s19+$0xFFFFFFF0] =	vst v4  }
0xdb: {  	[tilespmem:s19+$0x0] =	vst v1  }
0xdc: {  	p1 =	sge.u32 s0, s17;
	[tilespmem:s19+$0x10] =	vst v2  }
0xdd: {  	s13 =	sadd.s32 @!p1 s0, s24;
	[tilespmem:s19+$0x20] =	vst v3  }
0xde: {  	s12 =	simm.s32 $0x1AF00;
	s13 =	sshll.u32 @!p1 s13, $0x9;
	[tilespmem:s19+$0xFFFFFFC0] =	vst v6  }
0xdf: {  	[spmem:s2] =	stream.indirect.scatter.add.f32 [tilespmem:s28], [sflag:$0x7], $0x1, s12, s18, $0xb8;
	v63 =	vld [tilespmem:$0x0]  }
0xe0: {  	s15 =	simm.s32 @!p1 $0x18700;
	s13 =	sand.u32 @!p1 $0x1FFFFE00, s13;
	_ =	swait.ge [sflag:s29], $0x800  }
0xe1: {  	s13 =	sadd.s32 @!p1 s1, s13;
	s19 =	simm.s32 @!p1 $0x80;
	[sflag:s29] =	ssyncset.done $0x0  }
0xe2: {  	s14 =	sadd.s32 @!p1 $0x600, s13;
	s12 =	simm.s32 @!p1 $0x100;
	[sflag:s29] =	ssyncadd.s32 $0xFFFFF800  }
0xe3: {  	[tilespmem:s15], [sflag:$0x2] =	stream.strided.gather @!p1 [hbm4b:s14+s19], $0x800, s12, s19, $0x38;
	v63 =	vld [tilespmem:$0x0]  }
0xe4: {  	s13 =	sadd.s32 @!p1 $0x610, s13;
	s14 =	simm.s32 @!p1 $0x1A700  }
0xe5: {  	[tilespmem:s14], [sflag:$0x2] =	stream.strided.gather @!p1 [hbm4b:s13+s19], $0x800, s12, s19, $0x38;
	v63 =	vld [tilespmem:$0x0]  }
0xe6: {  	_ =	swait.ge [sflag:s11], $0x800  }
0xe7: {  	[sflag:s11] =	ssyncset.done $0x0  }
0xe8: {  	[sflag:s11] =	ssyncadd.s32 $0xFFFFF800  }
0xe9: {  	_ =	swait.ge [sflag:s11], $0x800  }
0xea: {  	[sflag:s11] =	ssyncset.done $0x0  }
0xeb: {  	s19 =	simm.s32 $0x19740;
	[sflag:s11] =	ssyncadd.s32 $0xFFFFF800  }
0xec: {  	v1 =	vld [tilespmem:s19+$0x30]  }
0xed: {  	v2 =	vld [tilespmem:s19+$0xFFFFFFD0]  }
0xee: {  	v3 =	vld [tilespmem:s19+$0xFFFFFFE0]  }
0xef: {  	v4 =	vld [tilespmem:s19+$0xFFFFFFF0]  }
0xf0: {  	v5 =	vld [tilespmem:s19+$0x0]  }
0xf1: {  	v7 =	vld [tilespmem:s19+$0x10]  }
0xf2: {  	v8 =	vld [tilespmem:s19+$0x20]  }
0xf3: {  	v9 =	vld [tilespmem:s19+$0xFFFFFFC0]  }
0xf4: {  	v10 =	vld.idx.msk [tilespmem:v1+s3+$0x0], $0xffff  }
0xf5: {  	v11 =	vld.idx.msk [tilespmem:v2+s3+$0x0], $0xffff  }
0xf6: {  	v6 =	vld.idx.msk [tilespmem:v3+s3+$0x0], $0xffff  }
0xf7: {  	v4 =	vld.idx.msk [tilespmem:v4+s3+$0x0], $0xffff  }
0xf8: {  	v1 =	vld.idx.msk [tilespmem:v5+s3+$0x0], $0xffff  }
0xf9: {  	s19 =	simm.s32 $0x1D740;
	v2 =	vld.idx.msk [tilespmem:v7+s3+$0x0], $0xffff  }
0xfa: {  	v3 =	vld.idx.msk [tilespmem:v8+s3+$0x0], $0xffff;
	[tilespmem:s19+$0x30] =	vst v10  }
0xfb: {  	s14 =	simm.s32 $0x0;
	s13 =	simm.s32 $0x197C0;
	v5 =	vld.idx.msk [tilespmem:v9+s3+$0x0], $0xffff;
	[tilespmem:s19+$0xFFFFFFD0] =	vst v11  }
.LBB2_9:
0xfc: {  	v7 =	vld [tilespmem:s13+$0x30];
	s14 =	sadd.s32 $0x8, s14;
	[tilespmem:s19+$0xFFFFFFE0] =	vst v6  }
0xfd: {  	v6 =	vld [tilespmem:s13+$0xFFFFFFD0];
	p1 =	slt.u32 s14, $0x78;
	[tilespmem:s19+$0xFFFFFFF0] =	vst v4  }
0xfe: {  	v4 =	vld [tilespmem:s13+$0xFFFFFFE0];
	[tilespmem:s19+$0x0] =	vst v1  }
0xff: {  	v1 =	vld [tilespmem:s13+$0xFFFFFFF0];
	[tilespmem:s19+$0x10] =	vst v2  }
0x100: {  	v2 =	vld [tilespmem:s13+$0x0];
	[tilespmem:s19+$0x20] =	vst v3  }
0x101: {  	v3 =	vld [tilespmem:s13+$0x10];
	[tilespmem:s19+$0xFFFFFFC0] =	vst v5  }
0x102: {  	v5 =	vld [tilespmem:s13+$0x20]  }
0x103: {  	v8 =	vld [tilespmem:s13+$0xFFFFFFC0]  }
0x104: {  	v7 =	vld.idx.msk [tilespmem:v7+s3+$0x0], $0xffff  }
0x105: {  	v9 =	vld.idx.msk [tilespmem:v6+s3+$0x0], $0xffff  }
0x106: {  	v6 =	vld.idx.msk [tilespmem:v4+s3+$0x0], $0xffff  }
.Ltmp5:
0x107: {  	v4 =	vld.idx.msk [tilespmem:v1+s3+$0x0], $0xffff;
	(pc) =	sbr.rel @p1 .LBB2_9-.Ltmp5, $4  }
0x108: {  	v1 =	vld.idx.msk [tilespmem:v2+s3+$0x0], $0xffff  }
0x109: {  	s19 =	sadd.s32 $0x80, s19;
	v2 =	vld.idx.msk [tilespmem:v3+s3+$0x0], $0xffff  }
0x10a: {  	v3 =	vld.idx.msk [tilespmem:v5+s3+$0x0], $0xffff;
	[tilespmem:s19+$0x30] =	vst v7  }
0x10b: {  	s13 =	sadd.s32 $0x80, s13;
	v5 =	vld.idx.msk [tilespmem:v8+s3+$0x0], $0xffff;
	[tilespmem:s19+$0xFFFFFFD0] =	vst v9  }
0x10c: {  	[tilespmem:s19+$0xFFFFFFE0] =	vst v6  }
0x10d: {  	[tilespmem:s19+$0xFFFFFFF0] =	vst v4  }
0x10e: {  	[tilespmem:s19+$0x0] =	vst v1  }
0x10f: {  	[tilespmem:s19+$0x10] =	vst v2  }
0x110: {  	[tilespmem:s19+$0x20] =	vst v3  }
0x111: {  	s12 =	simm.s32 $0x1B700;
	p1 =	sge.u32 s0, s22;
	[tilespmem:s19+$0xFFFFFFC0] =	vst v5  }
0x112: {  	[spmem:s2] =	stream.indirect.scatter.add.f32 [tilespmem:s7], [sflag:$0x8], $0x1, s12, s18, $0xb8;
	v63 =	vld [tilespmem:$0x0]  }
0x113: {  	s12 =	sadd.s32 @!p1 s0, s26  }
0x114: {  	s12 =	sshll.u32 @!p1 s12, $0x9  }
0x115: {  	s14 =	simm.s32 @!p1 $0x80;
	_ =	swait.ge [sflag:s30], $0x800;
	s12 =	sand.u32 @!p1 $0x1FFFFE00, s12  }
0x116: {  	s15 =	simm.s32 @!p1 $0x100;
	[sflag:s30] =	ssyncset.done $0x0;
	s12 =	sadd.s32 @!p1 s1, s12  }
0x117: {  	s19 =	simm.s32 @!p1 $0x18F00;
	[sflag:s30] =	ssyncadd.s32 $0xFFFFF800;
	s13 =	sadd.s32 @!p1 $0x600, s12  }
0x118: {  	[tilespmem:s19], [sflag:$0x3] =	stream.strided.gather @!p1 [hbm4b:s13+s14], $0x800, s15, s14, $0x38;
	v63 =	vld [tilespmem:$0x0]  }
0x119: {  	s12 =	sadd.s32 @!p1 $0x610, s12;
	s13 =	simm.s32 @!p1 $0x1AF00  }
0x11a: {  	[tilespmem:s13], [sflag:$0x3] =	stream.strided.gather @!p1 [hbm4b:s12+s14], $0x800, s15, s14, $0x38;
	v63 =	vld [tilespmem:$0x0]  }
0x11b: {  	_ =	swait.ge [sflag:s6], $0x800  }
0x11c: {  	[sflag:s6] =	ssyncset.done $0x0  }
0x11d: {  	[sflag:s6] =	ssyncadd.s32 $0xFFFFF800  }
0x11e: {  	_ =	swait.ge [sflag:s6], $0x800  }
0x11f: {  	[sflag:s6] =	ssyncset.done $0x0  }
0x120: {  	s19 =	simm.s32 $0x19F40;
	[sflag:s6] =	ssyncadd.s32 $0xFFFFF800  }
0x121: {  	v1 =	vld [tilespmem:s19+$0x30]  }
0x122: {  	v2 =	vld [tilespmem:s19+$0xFFFFFFD0]  }
0x123: {  	v3 =	vld [tilespmem:s19+$0xFFFFFFE0]  }
0x124: {  	v4 =	vld [tilespmem:s19+$0xFFFFFFF0]  }
0x125: {  	v5 =	vld [tilespmem:s19+$0x0]  }
0x126: {  	v7 =	vld [tilespmem:s19+$0x10]  }
0x127: {  	v8 =	vld [tilespmem:s19+$0x20]  }
0x128: {  	v9 =	vld [tilespmem:s19+$0xFFFFFFC0]  }
0x129: {  	v10 =	vld.idx.msk [tilespmem:v1+s3+$0x0], $0xffff  }
0x12a: {  	v11 =	vld.idx.msk [tilespmem:v2+s3+$0x0], $0xffff  }
0x12b: {  	v6 =	vld.idx.msk [tilespmem:v3+s3+$0x0], $0xffff  }
0x12c: {  	v4 =	vld.idx.msk [tilespmem:v4+s3+$0x0], $0xffff  }
0x12d: {  	v1 =	vld.idx.msk [tilespmem:v5+s3+$0x0], $0xffff  }
0x12e: {  	s19 =	simm.s32 $0x1DF40;
	v2 =	vld.idx.msk [tilespmem:v7+s3+$0x0], $0xffff  }
0x12f: {  	v3 =	vld.idx.msk [tilespmem:v8+s3+$0x0], $0xffff;
	[tilespmem:s19+$0x30] =	vst v10  }
0x130: {  	s14 =	simm.s32 $0x0;
	s13 =	simm.s32 $0x19FC0;
	v5 =	vld.idx.msk [tilespmem:v9+s3+$0x0], $0xffff;
	[tilespmem:s19+$0xFFFFFFD0] =	vst v11  }
.LBB2_11:
0x131: {  	v7 =	vld [tilespmem:s13+$0x30];
	s14 =	sadd.s32 $0x8, s14;
	[tilespmem:s19+$0xFFFFFFE0] =	vst v6  }
0x132: {  	v6 =	vld [tilespmem:s13+$0xFFFFFFD0];
	p1 =	slt.u32 s14, $0x78;
	[tilespmem:s19+$0xFFFFFFF0] =	vst v4  }
0x133: {  	v4 =	vld [tilespmem:s13+$0xFFFFFFE0];
	[tilespmem:s19+$0x0] =	vst v1  }
0x134: {  	v1 =	vld [tilespmem:s13+$0xFFFFFFF0];
	[tilespmem:s19+$0x10] =	vst v2  }
0x135: {  	v2 =	vld [tilespmem:s13+$0x0];
	[tilespmem:s19+$0x20] =	vst v3  }
0x136: {  	v3 =	vld [tilespmem:s13+$0x10];
	[tilespmem:s19+$0xFFFFFFC0] =	vst v5  }
0x137: {  	v5 =	vld [tilespmem:s13+$0x20]  }
0x138: {  	v8 =	vld [tilespmem:s13+$0xFFFFFFC0]  }
0x139: {  	v7 =	vld.idx.msk [tilespmem:v7+s3+$0x0], $0xffff  }
0x13a: {  	v9 =	vld.idx.msk [tilespmem:v6+s3+$0x0], $0xffff  }
0x13b: {  	v6 =	vld.idx.msk [tilespmem:v4+s3+$0x0], $0xffff  }
.Ltmp6:
0x13c: {  	v4 =	vld.idx.msk [tilespmem:v1+s3+$0x0], $0xffff;
	(pc) =	sbr.rel @p1 .LBB2_11-.Ltmp6, $4  }
0x13d: {  	v1 =	vld.idx.msk [tilespmem:v2+s3+$0x0], $0xffff  }
0x13e: {  	s19 =	sadd.s32 $0x80, s19;
	v2 =	vld.idx.msk [tilespmem:v3+s3+$0x0], $0xffff  }
0x13f: {  	v3 =	vld.idx.msk [tilespmem:v5+s3+$0x0], $0xffff;
	[tilespmem:s19+$0x30] =	vst v7  }
0x140: {  	s13 =	sadd.s32 $0x80, s13;
	v5 =	vld.idx.msk [tilespmem:v8+s3+$0x0], $0xffff;
	[tilespmem:s19+$0xFFFFFFD0] =	vst v9  }
0x141: {  	[tilespmem:s19+$0xFFFFFFE0] =	vst v6  }
0x142: {  	[tilespmem:s19+$0xFFFFFFF0] =	vst v4  }
0x143: {  	[tilespmem:s19+$0x0] =	vst v1  }
0x144: {  	p1 =	sge.u32 s0, s23;
	[tilespmem:s19+$0x10] =	vst v2  }
0x145: {  	s0 =	sadd.s32 @!p1 s9, s8;
	[tilespmem:s19+$0x20] =	vst v3  }
0x146: {  	s0 =	sshll.u32 @!p1 s0, $0x9;
	[tilespmem:s19+$0xFFFFFFC0] =	vst v5  }
0x147: {  	[spmem:s2] =	stream.indirect.scatter.add.f32 [tilespmem:s25], [sflag:$0x9], $0x1, s20, s18, $0xb8;
	v63 =	vld [tilespmem:$0x0]  }
0x148: {  	s12 =	simm.s32 @!p1 $0x80;
	s0 =	sand.u32 @!p1 $0x1FFFFE00, s0;
	_ =	swait.ge [sflag:s31], $0x800  }
0x149: {  	s13 =	simm.s32 @!p1 $0x100;
	s0 =	sadd.s32 @!p1 s1, s0;
	[sflag:s31] =	ssyncset.done $0x0  }
0x14a: {  	s14 =	simm.s32 @!p1 $0x19700;
	s8 =	sadd.s32 @!p1 $0x600, s0;
	[sflag:s31] =	ssyncadd.s32 $0xFFFFF800  }
0x14b: {  	[tilespmem:s14], [sflag:$0x4] =	stream.strided.gather @!p1 [hbm4b:s8+s12], $0x800, s13, s12, $0x38;
	v63 =	vld [tilespmem:$0x0]  }
0x14c: {  	s10 =	sadd.s32 $0x1, s10;
	s0 =	sadd.s32 @!p1 $0x610, s0;
	s8 =	simm.s32 @!p1 $0x1B700  }
0x14d: {  	[tilespmem:s8], [sflag:$0x4] =	stream.strided.gather @!p1 [hbm4b:s0+s12], $0x800, s13, s12, $0x38;
	v63 =	vld [tilespmem:$0x0]  }
0x14e: {  	p1 =	sne.s32 s10, $0x18  }
.Ltmp7:
0x14f: {  	_ = 	snop;
	(pc) =	sbr.rel @p1 .LBB2_4-.Ltmp7, $1  }
0x150: {  	_ =	sdelay $0x3  }
0x151: {  	_ =	swait.ge [sflag:s16], $0x800  }
0x152: {  	[sflag:s16] =	ssyncset.done $0x0  }
0x153: {  	[sflag:s16] =	ssyncadd.s32 $0xFFFFF800  }
0x154: {  	_ =	swait.ge [sflag:s16], $0x800  }
0x155: {  	[sflag:s16] =	ssyncset.done $0x0  }
0x156: {  	s0 =	simm.s32 $0x18740;
	[sflag:s16] =	ssyncadd.s32 $0xFFFFF800  }
0x157: {  	v1 =	vld [tilespmem:s0+$0x30]  }
0x158: {  	v2 =	vld [tilespmem:s0+$0xFFFFFFD0]  }
0x159: {  	v3 =	vld [tilespmem:s0+$0xFFFFFFE0]  }
0x15a: {  	v4 =	vld [tilespmem:s0+$0xFFFFFFF0]  }
0x15b: {  	v5 =	vld [tilespmem:s0+$0x0]  }
0x15c: {  	v7 =	vld [tilespmem:s0+$0x10]  }
0x15d: {  	v8 =	vld [tilespmem:s0+$0x20]  }
0x15e: {  	v9 =	vld [tilespmem:s0+$0xFFFFFFC0]  }
0x15f: {  	v10 =	vld.idx.msk [tilespmem:v1+s3+$0x0], $0xffff  }
0x160: {  	v11 =	vld.idx.msk [tilespmem:v2+s3+$0x0], $0xffff  }
0x161: {  	v6 =	vld.idx.msk [tilespmem:v3+s3+$0x0], $0xffff  }
0x162: {  	v4 =	vld.idx.msk [tilespmem:v4+s3+$0x0], $0xffff  }
0x163: {  	v1 =	vld.idx.msk [tilespmem:v5+s3+$0x0], $0xffff  }
0x164: {  	s0 =	simm.s32 $0x1C740;
	v2 =	vld.idx.msk [tilespmem:v7+s3+$0x0], $0xffff  }
0x165: {  	v3 =	vld.idx.msk [tilespmem:v8+s3+$0x0], $0xffff;
	[tilespmem:s0+$0x30] =	vst v10  }
0x166: {  	s8 =	simm.s32 $0x0;
	s10 =	simm.s32 $0x187C0;
	v5 =	vld.idx.msk [tilespmem:v9+s3+$0x0], $0xffff;
	[tilespmem:s0+$0xFFFFFFD0] =	vst v11  }
.LBB2_14:
0x167: {  	v7 =	vld [tilespmem:s10+$0x30];
	s8 =	sadd.s32 $0x8, s8;
	[tilespmem:s0+$0xFFFFFFE0] =	vst v6  }
0x168: {  	v6 =	vld [tilespmem:s10+$0xFFFFFFD0];
	p1 =	slt.u32 s8, $0x78;
	[tilespmem:s0+$0xFFFFFFF0] =	vst v4  }
0x169: {  	v4 =	vld [tilespmem:s10+$0xFFFFFFE0];
	[tilespmem:s0+$0x0] =	vst v1  }
0x16a: {  	v1 =	vld [tilespmem:s10+$0xFFFFFFF0];
	[tilespmem:s0+$0x10] =	vst v2  }
0x16b: {  	v2 =	vld [tilespmem:s10+$0x0];
	[tilespmem:s0+$0x20] =	vst v3  }
0x16c: {  	v3 =	vld [tilespmem:s10+$0x10];
	[tilespmem:s0+$0xFFFFFFC0] =	vst v5  }
0x16d: {  	v5 =	vld [tilespmem:s10+$0x20]  }
0x16e: {  	v8 =	vld [tilespmem:s10+$0xFFFFFFC0]  }
0x16f: {  	v7 =	vld.idx.msk [tilespmem:v7+s3+$0x0], $0xffff  }
0x170: {  	v9 =	vld.idx.msk [tilespmem:v6+s3+$0x0], $0xffff  }
0x171: {  	v6 =	vld.idx.msk [tilespmem:v4+s3+$0x0], $0xffff  }
.Ltmp8:
0x172: {  	v4 =	vld.idx.msk [tilespmem:v1+s3+$0x0], $0xffff;
	(pc) =	sbr.rel @p1 .LBB2_14-.Ltmp8, $4  }
0x173: {  	v1 =	vld.idx.msk [tilespmem:v2+s3+$0x0], $0xffff  }
0x174: {  	s0 =	sadd.s32 $0x80, s0;
	v2 =	vld.idx.msk [tilespmem:v3+s3+$0x0], $0xffff  }
0x175: {  	v3 =	vld.idx.msk [tilespmem:v5+s3+$0x0], $0xffff;
	[tilespmem:s0+$0x30] =	vst v7  }
0x176: {  	s10 =	sadd.s32 $0x80, s10;
	v5 =	vld.idx.msk [tilespmem:v8+s3+$0x0], $0xffff;
	[tilespmem:s0+$0xFFFFFFD0] =	vst v9  }
0x177: {  	[tilespmem:s0+$0xFFFFFFE0] =	vst v6  }
0x178: {  	[tilespmem:s0+$0xFFFFFFF0] =	vst v4  }
0x179: {  	[tilespmem:s0+$0x0] =	vst v1  }
0x17a: {  	[tilespmem:s0+$0x10] =	vst v2  }
0x17b: {  	[tilespmem:s0+$0x20] =	vst v3  }
0x17c: {  	s25 =	simm.s32 $0x1A700;
	s7 =	simm.s32 $0x1C700;
	[tilespmem:s0+$0xFFFFFFC0] =	vst v5  }
0x17d: {  	[spmem:s2] =	stream.indirect.scatter.add.f32 [tilespmem:s7], [sflag:$0x6], $0x1, s25, s18, $0xb8;
	v63 =	vld [tilespmem:$0x0]  }
.Ltmp9:
0x17e: {  	_ = 	snop;
	(pc) =	sbr.rel @p0 .LBB2_19-.Ltmp9, $4  }
0x17f: {  	s7 =	rddreg [dreg:$0x5]  }
0x180: {  	s12 =	rddreg [dreg:$0x6]  }
0x181: {  	s25 =	rddreg [dreg:$0x7]  }
0x182: {  	s14 =	rddreg [dreg:$0x14]  }
0x183: {  	_ =	swait.ge [sflag:s21], $0x800  }
0x184: {  	[sflag:s21] =	ssyncset.done $0x0  }
0x185: {  	[sflag:s21] =	ssyncadd.s32 $0xFFFFF800  }
0x186: {  	_ =	swait.ge [sflag:s21], $0x800  }
0x187: {  	[sflag:s21] =	ssyncset.done $0x0  }
0x188: {  	s0 =	simm.s32 $0x18F40;
	[sflag:s21] =	ssyncadd.s32 $0xFFFFF800  }
0x189: {  	v1 =	vld [tilespmem:s0+$0x30]  }
0x18a: {  	v2 =	vld [tilespmem:s0+$0xFFFFFFD0]  }
0x18b: {  	v3 =	vld [tilespmem:s0+$0xFFFFFFE0]  }
0x18c: {  	v4 =	vld [tilespmem:s0+$0xFFFFFFF0]  }
0x18d: {  	v5 =	vld [tilespmem:s0+$0x0]  }
0x18e: {  	v7 =	vld [tilespmem:s0+$0x10]  }
0x18f: {  	v8 =	vld [tilespmem:s0+$0x20]  }
0x190: {  	v9 =	vld [tilespmem:s0+$0xFFFFFFC0]  }
0x191: {  	v10 =	vld.idx.msk [tilespmem:v1+s3+$0x0], $0xffff  }
0x192: {  	v11 =	vld.idx.msk [tilespmem:v2+s3+$0x0], $0xffff  }
0x193: {  	v6 =	vld.idx.msk [tilespmem:v3+s3+$0x0], $0xffff  }
0x194: {  	v4 =	vld.idx.msk [tilespmem:v4+s3+$0x0], $0xffff  }
0x195: {  	v1 =	vld.idx.msk [tilespmem:v5+s3+$0x0], $0xffff  }
0x196: {  	s0 =	simm.s32 $0x1CF40;
	v2 =	vld.idx.msk [tilespmem:v7+s3+$0x0], $0xffff  }
0x197: {  	v3 =	vld.idx.msk [tilespmem:v8+s3+$0x0], $0xffff;
	[tilespmem:s0+$0x30] =	vst v10  }
0x198: {  	s8 =	simm.s32 $0x0;
	s10 =	simm.s32 $0x18FC0;
	v5 =	vld.idx.msk [tilespmem:v9+s3+$0x0], $0xffff;
	[tilespmem:s0+$0xFFFFFFD0] =	vst v11  }
.LBB2_17:
0x199: {  	v7 =	vld [tilespmem:s10+$0x30];
	s8 =	sadd.s32 $0x8, s8;
	[tilespmem:s0+$0xFFFFFFE0] =	vst v6  }
0x19a: {  	v6 =	vld [tilespmem:s10+$0xFFFFFFD0];
	p1 =	slt.u32 s8, $0x78;
	[tilespmem:s0+$0xFFFFFFF0] =	vst v4  }
0x19b: {  	v4 =	vld [tilespmem:s10+$0xFFFFFFE0];
	[tilespmem:s0+$0x0] =	vst v1  }
0x19c: {  	v1 =	vld [tilespmem:s10+$0xFFFFFFF0];
	[tilespmem:s0+$0x10] =	vst v2  }
0x19d: {  	v2 =	vld [tilespmem:s10+$0x0];
	[tilespmem:s0+$0x20] =	vst v3  }
0x19e: {  	v3 =	vld [tilespmem:s10+$0x10];
	[tilespmem:s0+$0xFFFFFFC0] =	vst v5  }
0x19f: {  	v5 =	vld [tilespmem:s10+$0x20]  }
0x1a0: {  	v8 =	vld [tilespmem:s10+$0xFFFFFFC0]  }
0x1a1: {  	v7 =	vld.idx.msk [tilespmem:v7+s3+$0x0], $0xffff  }
0x1a2: {  	v9 =	vld.idx.msk [tilespmem:v6+s3+$0x0], $0xffff  }
0x1a3: {  	v6 =	vld.idx.msk [tilespmem:v4+s3+$0x0], $0xffff  }
.Ltmp10:
0x1a4: {  	v4 =	vld.idx.msk [tilespmem:v1+s3+$0x0], $0xffff;
	(pc) =	sbr.rel @p1 .LBB2_17-.Ltmp10, $4  }
0x1a5: {  	v1 =	vld.idx.msk [tilespmem:v2+s3+$0x0], $0xffff  }
0x1a6: {  	s0 =	sadd.s32 $0x80, s0;
	v2 =	vld.idx.msk [tilespmem:v3+s3+$0x0], $0xffff  }
0x1a7: {  	v3 =	vld.idx.msk [tilespmem:v5+s3+$0x0], $0xffff;
	[tilespmem:s0+$0x30] =	vst v7  }
0x1a8: {  	s10 =	sadd.s32 $0x80, s10;
	v5 =	vld.idx.msk [tilespmem:v8+s3+$0x0], $0xffff;
	[tilespmem:s0+$0xFFFFFFD0] =	vst v9  }
0x1a9: {  	[tilespmem:s0+$0xFFFFFFE0] =	vst v6  }
0x1aa: {  	[tilespmem:s0+$0xFFFFFFF0] =	vst v4  }
0x1ab: {  	[tilespmem:s0+$0x0] =	vst v1  }
0x1ac: {  	[tilespmem:s0+$0x10] =	vst v2  }
0x1ad: {  	[tilespmem:s0+$0x20] =	vst v3  }
.Ltmp11:
0x1ae: {  	s19 =	simm.s32 $0x1AF00;
	[tilespmem:s0+$0xFFFFFFC0] =	vst v5;
	(pc) =	sbr.rel .LBB2_19-.Ltmp11, $4  }
0x1af: {  	[spmem:s2] =	stream.indirect.scatter.add.f32 [tilespmem:s28], [sflag:$0x7], $0x1, s19, s18, $0xb8;
	v63 =	vld [tilespmem:$0x0]  }
0x1b0: {  	_ =	swait.ge [sflag:s30], $0x800  }
0x1b1: {  	[sflag:s30] =	ssyncset.done $0x0  }
0x1b2: {  	s14 =	rddreg [dreg:$0x14];
	[sflag:s30] =	ssyncadd.s32 $0xFFFFF800  }
.LBB2_20:
0x1b3: {  	_ =	sfence.sel $0x180000  }
0x1b4: {  	[bflag:$0x0] =	sbarrier.arrive $0xFFFF  }
0x1b5: {  	_ =	strace $0x90000047  }
0x1b6: {  	s0 =	stileid.u32;
	[bflag:$0x2] =	sbarrier.arrive $0xFFFF  }
0x1b7: {  	p0 =	sne.s32 s0, $0x0;
	s0 =	rddreg [dreg:$0x3]  }
0x1b8: {  	s0 =	sadd.s32 @!p0 $0x100000, s0  }
0x1b9: {  	[sflag:s0] =	ssyncadd.tile.s32 @!p0 $0x1;
	_ =	shalt  }
.Lfunc_end2:
_tile_overlayer_lowered:
.L_overlay_start_2:
0x1ba: {  	(tag) =	ssettag $0x2  }
0x1bb: {  	s0 =	rddreg [dreg:$0x0];
	s2 =	stileid.u32  }
0x1bc: {  	s1 =	rddreg [dreg:$0x1];
	p0 =	sne.s32 s2, $0x0  }
0x1bd: {  	s3 =	rddreg [dreg:$0x2];
	[bflag:$0x3] =	sbarrier.arrive $0xFFFF;
	s2 =	simm.s32 @!p0 $0x1C0A  }
0x1be: {  	[timem:s3], [sflag:s2] =	dma.local @!p0 [hbm:s0], s1  }
0x1bf: {  	s0 =	simm.s32 @!p0 $0xA  }
0x1c0: {  	_ =	swait.ge @!p0 [sflag:s0], s1  }
0x1c1: {  	s1 =	ssub.s32 @!p0 $0x0, s1;
	[sflag:s0] =	ssyncset.done @!p0 $0x0  }
0x1c2: {  	[sflag:s0] =	ssyncadd.s32 @!p0 s1  }
0x1c3: {  	[bflag:$0x3] =	sbarrier.arrive $0xFFFF  }
0x1c4: {  	_ =	shalt  }

// kernel: kernel.7.cloned.1.call-start
scs
__scs_entry_jumppad:
0x0: {  	(pc) =	sbr.rel $0x88, $3  }
0x1: {  	(tag) =	ssettag $0x0;
	lr =	simm.s32 $0x1  }
0x2: {  	[smem:$0x3F9C] =	sst lr;
	_ =	strace $0xD0000000  }
0x3: {  	_ = 	snop  }
0x4: {  	_ = 	snop  }
0x5: {  	_ = 	snop  }
0x6: {  	_ = 	snop  }
0x7: {  	_ = 	snop  }
__scs_overlays_trampoline_lowered:
0x8: {  	[smem:$0x3FAB] =	sst s0  }
0x9: {  	[smem:$0x3FAC] =	sst s1  }
0xa: {  	[smem:$0x3FAD] =	sst s2  }
0xb: {  	[smem:$0x3FAE] =	sst s3  }
0xc: {  	[smem:$0x3FAF] =	sst s4  }
0xd: {  	[smem:$0x3FB0] =	sst s5  }
0xe: {  	[smem:$0x3FB1] =	sst s6  }
0xf: {  	[smem:$0x3FB2] =	sst s7  }
0x10: {  	[smem:$0x3FB3] =	sst s8  }
0x11: {  	[smem:$0x3FB4] =	sst s9;
	s0 =	simm.s32 @!p0 $0x0  }
0x12: {  	s1 =	sld [smem:$0x3F9A];
	s0 =	simm.s32 @p0 $0x1  }
0x13: {  	[smem:$0x3FB5] =	sst s0;
	s0 =	simm.s32 @!p1 $0x0  }
0x14: {  	s2 =	sld [smem:$0x3F99];
	s0 =	simm.s32 @p1 $0x1  }
0x15: {  	[smem:$0x3FB6] =	sst s0;
	s0 =	simm.s32 @!p2 $0x0  }
0x16: {  	s3 =	sld [smem:$0x3FDB];
	s0 =	simm.s32 @p2 $0x1  }
0x17: {  	s4 =	simm.s32 $0x1BF5;
	[smem:$0x3FB8] =	sst s0  }
0x18: {  	s0 =	sld [smem:$0x3F9B];
	_ =	swait.ge [sflag:s4], $0x0  }
0x19: {  	s7 =	sld [smem:$0x3F9C]  }
0x1a: {  	s8 =	sadd.s32 $0xFFFFE003, lr  }
0x1b: {  	s9 =	sadd.s32 $0xFFFFFEF7, lr;
	s5 =	simm.s32 $0xFFFFFFFF;
	p2 =	slt.u32 s8, $0xFFFFF086  }
0x1c: {  	p1 =	slt.u32 s9, $0xF7A;
	s5 =	simm.s32 @!p2 $0x0  }
0x1d: {  	s5 =	simm.s32 @p1 $0x1;
	p0 =	seq.s32 s7, s2  }
0x1e: {  	s7 =	smul.u32 @!p0 $0xF7A, s2;
	p2 =	seq.s32 @!p0 s5, $0x0  }
0x1f: {  	s9 =	smul.u32 $0xF7A, s1;
	s8 =	simm.s32 @!p0 $0x1BF5;
	p2 =	por !p2, p0  }
0x20: {  	[sflag:s8] =	ssyncset.s32 @!p0 $0xFFFFF086;
	s6 =	sadd.s32 @!p0 s3, s7;
	s7 =	simm.s32 @!p0 $0x108  }
0x21: {  	s3 =	sadd.s32 s3, s9;
	s6 =	sadd.s32 @!p0 $0x88, s6;
	s7 =	simm.s32 @p2 $0x1082  }
0x22: {  	[simem:s7], [sflag:s8] =	dma.local @!p0 [hbm:s6], $0xF7A  }
0x23: {  	s9 =	sor.u32 $0xD0000000, s2;
	s6 =	simm.s32 $0x108;
	_ =	swait.ge @!p0 [sflag:s8], $0x0  }
0x24: {  	s3 =	sadd.s32 $0x88, s3;
	s6 =	simm.s32 @!p1 $0x1082;
	[sflag:s4] =	ssyncset.s32 $0xFFFFF086  }
0x25: {  	[simem:s6], [sflag:s4] =	dma.local [hbm:s3], $0xF7A  }
0x26: {  	[smem:$0x3F9C] =	sst s1;
	(tag) =	ssettag s2;
	_ =	strace s9  }
0x27: {  	s1 =	sld [smem:$0x3FAC]  }
0x28: {  	s2 =	sld [smem:$0x3FAD]  }
0x29: {  	s4 =	sld [smem:$0x3FAF]  }
0x2a: {  	p0 =	seq.s32 s5, $0x0;
	s5 =	sld [smem:$0x3FB0]  }
0x2b: {  	s6 =	sld [smem:$0x3FB1]  }
0x2c: {  	s7 =	sld [smem:$0x3FB2]  }
0x2d: {  	s3 =	simm.s32 $0x108;
	s8 =	sld [smem:$0x3FB3]  }
0x2e: {  	s3 =	simm.s32 @!p0 $0x1082;
	s9 =	sld [smem:$0x3FB4]  }
0x2f: {  	lr =	sadd.s32 s0, s3;
	s0 =	sld [smem:$0x3FAB]  }
0x30: {  	s3 =	sld [smem:$0x3FAE]  }
0x31: {  	[smem:$0x3FB7] =	sst s10  }
0x32: {  	s10 =	sld [smem:$0x3FB5];
	_ =	sdelay $0x3  }
0x33: {  	p0 =	seq.s32 s10, $0x1;
	s10 =	sld [smem:$0x3FB7];
	_ =	sdelay $0x3  }
0x34: {  	[smem:$0x3FB7] =	sst s10  }
0x35: {  	s10 =	sld [smem:$0x3FB6];
	_ =	sdelay $0x3  }
0x36: {  	p1 =	seq.s32 s10, $0x1;
	s10 =	sld [smem:$0x3FB7];
	_ =	sdelay $0x3  }
0x37: {  	[smem:$0x3FB7] =	sst s10  }
0x38: {  	s10 =	sld [smem:$0x3FB8]  }
0x39: {  	_ = 	snop;
	(pc) =	sbr.ind lr, $3  }
0x3a: {  	_ = 	snop  }
0x3b: {  	_ = 	snop  }
0x3c: {  	p2 =	seq.s32 s10, $0x1;
	s10 =	sld [smem:$0x3FB7]  }
0x3d: {  	_ =	shalt  }
0x3e: {  	_ =	shalt  }
0x3f: {  	_ =	shalt  }
0x40: {  	_ =	shalt  }
0x41: {  	_ =	shalt  }
0x42: {  	_ =	shalt  }
0x43: {  	_ =	shalt  }
0x44: {  	_ =	shalt  }
0x45: {  	_ =	shalt  }
0x46: {  	_ =	shalt  }
0x47: {  	_ =	shalt  }
0x48: {  	_ =	shalt  }
0x49: {  	_ =	shalt  }
0x4a: {  	_ =	shalt  }
0x4b: {  	_ =	shalt  }
0x4c: {  	_ =	shalt  }
0x4d: {  	_ =	shalt  }
0x4e: {  	_ =	shalt  }
0x4f: {  	_ =	shalt  }
0x50: {  	_ =	shalt  }
0x51: {  	_ =	shalt  }
0x52: {  	_ =	shalt  }
0x53: {  	_ =	shalt  }
0x54: {  	_ =	shalt  }
0x55: {  	_ =	shalt  }
0x56: {  	_ =	shalt  }
0x57: {  	_ =	shalt  }
0x58: {  	_ =	shalt  }
0x59: {  	_ =	shalt  }
0x5a: {  	_ =	shalt  }
0x5b: {  	_ =	shalt  }
0x5c: {  	_ =	shalt  }
0x5d: {  	_ =	shalt  }
0x5e: {  	_ =	shalt  }
0x5f: {  	_ =	shalt  }
0x60: {  	_ =	shalt  }
0x61: {  	_ =	shalt  }
0x62: {  	_ =	shalt  }
0x63: {  	_ =	shalt  }
0x64: {  	_ =	shalt  }
0x65: {  	_ =	shalt  }
0x66: {  	_ =	shalt  }
0x67: {  	_ =	shalt  }
0x68: {  	_ =	shalt  }
0x69: {  	_ =	shalt  }
0x6a: {  	_ =	shalt  }
0x6b: {  	_ =	shalt  }
0x6c: {  	_ =	shalt  }
0x6d: {  	_ =	shalt  }
0x6e: {  	_ =	shalt  }
0x6f: {  	_ =	shalt  }
0x70: {  	_ =	shalt  }
0x71: {  	_ =	shalt  }
0x72: {  	_ =	shalt  }
0x73: {  	_ =	shalt  }
0x74: {  	_ =	shalt  }
0x75: {  	_ =	shalt  }
0x76: {  	_ =	shalt  }
0x77: {  	_ =	shalt  }
0x78: {  	_ =	shalt  }
0x79: {  	_ =	shalt  }
0x7a: {  	_ =	shalt  }
0x7b: {  	_ =	shalt  }
0x7c: {  	_ =	shalt  }
0x7d: {  	_ =	shalt  }
0x7e: {  	_ =	shalt  }
0x7f: {  	_ =	shalt  }
0x80: {  	_ =	shalt  }
0x81: {  	_ =	shalt  }
0x82: {  	_ =	shalt  }
0x83: {  	_ =	shalt  }
0x84: {  	_ =	shalt  }
0x85: {  	_ =	shalt  }
0x86: {  	_ =	shalt  }
0x87: {  	_ =	shalt  }
.Lfunc_end0:
.L_simem_size_0:
called_computation.1_lowered:
.L_overlay_start_0:
0x88: {  	s2 =	sld [smem:$0x3FD9]  }
0x89: {  	s3 =	sld [smem:$0x3FFE];
	_ =	sdelay $0x1  }
0x8a: {  	s1 =	srdreg.scid  }
0x8b: {  	s0 =	sand.u32 $0x1, s1  }
0x8c: {  	s16 =	sshll.u32 s0, $0xA;
	s2 =	sadd.s32 s3, s2  }
0x8d: {  	s2 =	sadd.s32 s2, s16  }
0x8e: {  	[smem:$0x3FC3] =	sst s2  }
0x8f: {  	_ = 	snop  }
0x90: {  	(tm) =	ssettm $0x1  }
0x91: {  	s17 =	sld [smem:$0x3FFB];
	_ =	sdelay $0x3  }
0x92: {  	_ =	strace s17  }
0x93: {  	s2 =	sld [smem:$0x3FFC];
	_ =	sdelay $0x3  }
0x94: {  	_ =	strace s2  }
0x95: {  	s2 =	sld [smem:$0x3FFD];
	_ =	sdelay $0x3  }
0x96: {  	_ =	strace s2  }
0x97: {  	_ =	strace $0x8FFFFFFF  }
0x98: {  	s18 =	sld [smem:$0x3FDB];
	_ =	sdelay $0x1  }
0x99: {  	s19 =	simm.s32 $_scs_section_size  }
0x9a: {  	s4 =	simm.s32 $_size__tile_overlayer_lowered;
	s5 =	simm.s32 $_tile_overlayer_lowered  }
0x9b: {  	s22 =	simm.s32 $0x1BFF;
	s21 =	sshll.u32 s5, $0x1;
	s2 =	sadd.s32 s19, s18  }
0x9c: {  	s6 =	simm.s32 $0x0;
	s20 =	sshll.u32 s4, $0x1;
	s4 =	sadd.s32 s21, s2  }
0x9d: {  	[timem:s6], [sflag:s22] =	dma.local [hbm:s4], s20  }
0x9e: {  	_ =	swait.ge [sflag:s22], s20  }
0x9f: {  	s3 =	ssub.s32 $0x0, s20;
	[sflag:s22] =	ssyncset.done $0x0  }
0xa0: {  	[sflag:s22] =	ssyncadd.s32 s3;
	_ =	sdelay $0x1  }
0xa1: {  	s23 =	simm.s32 $0x1B8B  }
0xa2: {  	_ =	swait.ge [sflag:s23], $0x1  }
0xa3: {  	[sflag:s23] =	ssyncset.done $0x0  }
0xa4: {  	s25 =	simm.s32 $0x1B8E;
	s24 =	sld [smem:$0x3FFE];
	[sflag:s23] =	ssyncadd.s32 $0xFFFFFFFF  }
0xa5: {  	s26 =	simm.s32 $execute0_lowered;
	[smem:$0x3FD2] =	sst s25  }
0xa6: {  	s4 =	sshll.u32 s26, $0x1;
	_ =	strace $0x80000049;
	[dreg:$0x1] =	wrdreg $0xFFFFFFFF  }
0xa7: {  	s28 =	simm.s32 $_size_execute0_lowered;
	s2 =	sadd.s32 s2, s4;
	[dreg:$0x0] =	wrdreg $0x0  }
0xa8: {  	s4 =	sshll.u32 s28, $0x1;
	[dreg:$0x2] =	wrdreg s2  }
0xa9: {  	[dreg:$0x3] =	wrdreg s4  }
0xaa: {  	[dreg:$0x4] =	wrdreg $0xC0  }
0xab: {  	_ =	task [dreg:s6], $0x5FFFF  }
0xac: {  	[dreg:$0x1] =	wrdreg $0xFFFFFFFF  }
0xad: {  	[dreg:$0x0] =	wrdreg $0x60  }
0xae: {  	[dreg:$0x2] =	wrdreg s24  }
0xaf: {  	[dreg:$0x3] =	wrdreg $0x3F000  }
0xb0: {  	[dreg:$0x4] =	wrdreg $0x3F080  }
0xb1: {  	[dreg:$0x5] =	wrdreg $0x9  }
0xb2: {  	_ =	task.clear_ibuf [dreg:s6], $0x6FFFF;
	_ =	strace $0x90000049  }
0xb3: {  	s29 =	simm.s32 $0x9;
	_ =	strace $0x8000004B  }
0xb4: {  	_ =	swait.ge [sflag:s29], $0x1  }
0xb5: {  	[sflag:s29] =	ssyncadd.s32 $0xFFFFFFFF  }
0xb6: {  	_ =	strace $0x9000004B  }
0xb7: {  	_ =	sfence  }
0xb8: {  	s30 =	sld [smem:$0x0];
	_ =	sdelay $0x2  }
0xb9: {  	s31 =	sshll.u32 s1, $0xD;
	s1 =	sshrl.u32 s1, $0x2  }
0xba: {  	s3 =	sand.u32 $0x4000, s31;
	s1 =	sadd.s32 s1, s30  }
0xbb: {  	s0 =	sor.u32 s3, s0;
	s1 =	sshll.u32 s1, $0x11  }
0xbc: {  	s0 =	sor.u32 s1, s0  }
0xbd: {  	s0 =	sadd.s32 $0x8F2B, s0  }
0xbe: {  	[sflag:s0] =	ssyncadd.remote.s32 $0x1  }
0xbf: {  	_ =	sfence.sel $0xFFFF  }
0xc0: {  	[dreg:$0x0] =	wrdreg $0xFFFFFFFF;
	(pc) =	sbr.abs _section_cstart, $3  }
0xc1: {  	[dreg:$0x1] =	wrdreg $0xFFFFFFFF  }
0xc2: {  	_ =	task.clear_ibuf [dreg:s6], $0x2FFFF;
	_ =	strace $0x9FFFFFFF  }
0xc3: {  	(tm) =	ssettm $0x7FFFFFFF  }
tec
execute0_lowered:
.L_overlay_start_1:
0x0: {  	(tag) =	ssettag $0x1  }
0x1: {  	s0 =	srdreg.scid;
	s4 =	rddreg [dreg:$0x0]  }
0x2: {  	s1 =	rddreg [dreg:$0x1];
	s10 =	stileid.u32  }
0x3: {  	s2 =	rddreg [dreg:$0x2];
	s3 =	simm.s32 $0x0;
	s12 =	simm.s32 $0xC80  }
0x4: {  	s13 =	simm.s32 $0x3200;
	s14 =	simm.s32 $0x3;
	s15 =	simm.s32 $0x1900  }
0x5: {  	s16 =	simm.s32 $0x2580;
	s17 =	simm.s32 $0x1;
	s5 =	sand.u32 $0x1, s0  }
0x6: {  	s18 =	simm.s32 $0x2;
	s0 =	rddreg [dreg:$0x3];
	s6 =	sshll.u32 s5, $0x4  }
0x7: {  	s19 =	simm.s32 $0x0;
	[smem:$0x7FF] =	sst s3;
	s7 =	sor.u32 s10, s6  }
0x8: {  	p0 =	sne.s32 s10, $0x0;
	_ =	strace $0x8000004A;
	s8 =	smul.u32 $0x320, s7  }
0x9: {  	s5 =	ssub.s32 $0x2, s5;
	s9 =	sadd.s32 s6, s4;
	s7 =	smul.u32 $0x190, s7  }
0xa: {  	s31 =	sshrl.u32 s5, $0x1;
	s10 =	simm.s32 $0x80;
	s8 =	sadd.s32 s8, s4  }
0xb: {  	s11 =	ssub.s32 s5, s31;
	s7 =	sadd.s32 s7, s4;
	s4 =	sadd.s32 $0x3E00, s8  }
0xc: {  	s5 =	sadd.s32 $0x3E10, s8;
	s6 =	sadd.s32 $0xA200, s7;
	s7 =	sadd.s32 $0xC00, s9  }
0xd: {  	v0 =	vimm.f32 $0.0e+00;
	v1 =	vimm.f32 $1.000000000e+00;
	s8 =	sadd.s32 $0xE00, s9;
	s9 =	smax.u32 s11, $0x1;
	s11 =	simm.s32 $0x100  }
.LBB2_1:
0xe: {  	[tilespmem:$0x3E80] =	vst v0  }
0xf: {  	[tilespmem:$0x3E90] =	vst v0  }
0x10: {  	[tilespmem:$0x3EA0] =	vst v0  }
0x11: {  	[tilespmem:$0x3EB0] =	vst v0  }
0x12: {  	[tilespmem:$0x3EC0] =	vst v0  }
0x13: {  	[tilespmem:$0x3ED0] =	vst v0  }
0x14: {  	[tilespmem:$0x3EE0] =	vst v0  }
0x15: {  	[tilespmem:$0x3EF0] =	vst v0;
	s20 =	simm.s32 @!p0 $0x3E80;
	s21 =	simm.s32 @!p0 $0x4  }
0x16: {  	[spmem:s1] =	stream.linear.scatter @!p0 [tilespmem:s20], [sflag:$0x4], $0x80, $0x38;
	[tilespmem:$0x3F10] =	vst v63  }
0x17: {  	_ =	swait.ge @!p0 [sflag:s21], $0x80  }
0x18: {  	[sflag:s21] =	ssyncset.done @!p0 $0x0  }
0x19: {  	[sflag:s21] =	ssyncadd.s32 @!p0 $0xFFFFFF80  }
0x1a: {  	[spmem:s2] =	stream.linear.scatter @!p0 [tilespmem:s20], [sflag:$0x4], $0x80, $0x38;
	[tilespmem:$0x3F10] =	vst v63  }
0x1b: {  	_ =	swait.ge @!p0 [sflag:s21], $0x80  }
0x1c: {  	[sflag:s21] =	ssyncset.done @!p0 $0x0  }
0x1d: {  	[sflag:s21] =	ssyncadd.s32 @!p0 $0xFFFFFF80  }
0x1e: {  	[bflag:$0x0] =	sbarrier.arrive $0xFFFF  }
0x1f: {  	[tilespmem:s3], [sflag:$0x3] =	stream.strided.gather [hbm4b:s4+s10], $0xC80, s11, s10, $0x38;
	[tilespmem:$0x3F10] =	vst v63  }
0x20: {  	_ = 	snop  }
0x21: {  	[tilespmem:s12], [sflag:$0x3] =	stream.strided.gather [hbm4b:s5+s10], $0xC80, s11, s10, $0x38;
	[tilespmem:$0x3F10] =	vst v63  }
0x22: {  	_ = 	snop  }
0x23: {  	[tilespmem:s13], [sflag:$0x3] =	stream.linear.gather [hbm4b:s6+s3], $0xC80, $0x38;
	[tilespmem:$0x3F10] =	vst v63  }
0x24: {  	_ =	swait.ge [sflag:s14], $0xC80  }
0x25: {  	[sflag:s14] =	ssyncset.done $0x0  }
0x26: {  	[sflag:s14] =	ssyncadd.s32 $0xFFFFF380  }
0x27: {  	_ =	swait.ge [sflag:s14], $0xC80  }
0x28: {  	[sflag:s14] =	ssyncset.done $0x0  }
0x29: {  	[sflag:s14] =	ssyncadd.s32 $0xFFFFF380  }
0x2a: {  	_ =	swait.ge [sflag:s14], $0xC80  }
0x2b: {  	[sflag:s14] =	ssyncset.done $0x0  }
0x2c: {  	s23 =	simm.s32 $0x40;
	[sflag:s14] =	ssyncadd.s32 $0xFFFFF380  }
0x2d: {  	s22 =	simm.s32 $0xCC0;
	v3 =	vld [tilespmem:s23+$0x30]  }
0x2e: {  	v4 =	vld [tilespmem:s22+$0x30]  }
0x2f: {  	v5 =	vld [tilespmem:s23+$0xFFFFFFD0]  }
0x30: {  	v6 =	vld [tilespmem:s22+$0xFFFFFFD0]  }
0x31: {  	v7 =	vld [tilespmem:s23+$0xFFFFFFE0]  }
0x32: {  	v8 =	vld [tilespmem:s22+$0xFFFFFFE0];
	_ =	sdelay $0x1  }
0x33: {  	v2 =	vld [tilespmem:s22+$0xFFFFFFC0]  }
0x34: {  	v9 =	vld [tilespmem:s22+$0xFFFFFFF0];
	v3 =	vadd.f32 v4, v3  }
0x35: {  	v4 =	vld [tilespmem:s23+$0xFFFFFFF0];
	v5 =	vadd.f32 v6, v5  }
0x36: {  	s20 =	simm.s32 $0x1940;
	v10 =	vld [tilespmem:s23+$0x0];
	v6 =	vadd.f32 v8, v7;
	v3 =	vmax.f32 v3, $0.0e+00  }
0x37: {  	v11 =	vld [tilespmem:s22+$0x0];
	v5 =	vmax.f32 v5, $0.0e+00;
	[tilespmem:s20+$0x30] =	vst v3  }
0x38: {  	v6 =	vmax.f32 v6, $0.0e+00;
	v3 =	vld [tilespmem:s23+$0x10];
	[tilespmem:s20+$0xFFFFFFD0] =	vst v5  }
0x39: {  	s21 =	simm.s32 $0x25C0;
	v5 =	vld [tilespmem:s22+$0x10];
	[tilespmem:s20+$0xFFFFFFE0] =	vst v6  }
0x3a: {  	v6 =	vld [tilespmem:s22+$0x20];
	[tilespmem:s21+$0x30] =	vst v1;
	v8 =	vadd.f32 v9, v4  }
0x3b: {  	[tilespmem:s21+$0xFFFFFFD0] =	vst v1;
	v4 =	vld [tilespmem:s23+$0x20]  }
0x3c: {  	s24 =	simm.s32 $0x0;
	s25 =	simm.s32 $0xC0;
	v7 =	vld [tilespmem:s23+$0xFFFFFFC0];
	[tilespmem:s21+$0xFFFFFFE0] =	vst v1;
	s23 =	simm.s32 $0x25C0;
	v9 =	vmax.f32 v8, $0.0e+00;
	v8 =	vadd.f32 v11, v10  }
.LBB2_2:
0x3d: {  	v10 =	vld [tilespmem:s25+$0x30];
	[tilespmem:s20+$0xFFFFFFF0] =	vst v9;
	s22 =	sadd.s32 $0x80, s22  }
0x3e: {  	v9 =	vld [tilespmem:s22+$0x30];
	[tilespmem:s21+$0xFFFFFFF0] =	vst v1;
	v8 =	vmax.f32 v8, $0.0e+00;
	v3 =	vadd.f32 v5, v3  }
0x3f: {  	s24 =	sadd.s32 $0x8, s24;
	v5 =	vld [tilespmem:s22+$0xFFFFFFC0];
	[tilespmem:s20+$0x0] =	vst v8  }
0x40: {  	p1 =	slt.u32 s24, $0xC0;
	v8 =	vld [tilespmem:s25+$0xFFFFFFD0];
	[tilespmem:s21+$0x0] =	vst v1;
	v3 =	vmax.f32 v3, $0.0e+00;
	v4 =	vadd.f32 v6, v4  }
0x41: {  	v6 =	vld [tilespmem:s22+$0xFFFFFFD0];
	v11 =	vadd.f32 v2, v7;
	[tilespmem:s20+$0x10] =	vst v3  }
0x42: {  	v3 =	vld [tilespmem:s25+$0xFFFFFFE0];
	[tilespmem:s21+$0x10] =	vst v1;
	v4 =	vmax.f32 v4, $0.0e+00  }
0x43: {  	v7 =	vld [tilespmem:s22+$0xFFFFFFE0];
	v9 =	vadd.f32 v9, v10;
	v10 =	vmax.f32 v11, $0.0e+00;
	[tilespmem:s20+$0x20] =	vst v4  }
0x44: {  	v4 =	vld [tilespmem:s25+$0xFFFFFFF0];
	[tilespmem:s20+$0xFFFFFFC0] =	vst v10;
	v2 =	vmov v5  }
0x45: {  	s20 =	sadd.s32 $0x80, s20;
	v10 =	vld [tilespmem:s22+$0xFFFFFFF0];
	v5 =	vmax.f32 v9, $0.0e+00;
	[tilespmem:s21+$0xFFFFFFC0] =	vst v1  }
0x46: {  	s21 =	sadd.s32 $0x80, s21;
	v6 =	vadd.f32 v6, v8;
	v8 =	vld [tilespmem:s25+$0x0];
	[tilespmem:s20+$0x30] =	vst v5  }
0x47: {  	v11 =	vld [tilespmem:s22+$0x0];
	[tilespmem:s21+$0x30] =	vst v1  }
.Ltmp0:
0x48: {  	v5 =	vmax.f32 v6, $0.0e+00;
	v6 =	vadd.f32 v7, v3;
	v3 =	vld [tilespmem:s25+$0x10];
	[tilespmem:s23+$0x20] =	vst v1;
	s23 =	smov.u32 s21;
	(pc) =	sbr.rel @p1 .LBB2_2-.Ltmp0, $4  }
0x49: {  	[tilespmem:s20+$0xFFFFFFD0] =	vst v5;
	v5 =	vld [tilespmem:s22+$0x10]  }
0x4a: {  	[tilespmem:s21+$0xFFFFFFD0] =	vst v1;
	v6 =	vmax.f32 v6, $0.0e+00;
	v9 =	vadd.f32 v10, v4;
	v4 =	vld [tilespmem:s25+$0x20]  }
0x4b: {  	[tilespmem:s20+$0xFFFFFFE0] =	vst v6;
	v6 =	vld [tilespmem:s22+$0x20]  }
0x4c: {  	v7 =	vld [tilespmem:s25+$0xFFFFFFC0];
	[tilespmem:s21+$0xFFFFFFE0] =	vst v1;
	v9 =	vmax.f32 v9, $0.0e+00;
	v8 =	vadd.f32 v11, v8;
	s25 =	sadd.s32 $0x80, s25  }
0x4d: {  	[tilespmem:s20+$0xFFFFFFF0] =	vst v9  }
0x4e: {  	[tilespmem:s21+$0xFFFFFFF0] =	vst v1;
	v8 =	vmax.f32 v8, $0.0e+00;
	v3 =	vadd.f32 v5, v3  }
0x4f: {  	[tilespmem:s20+$0x0] =	vst v8  }
0x50: {  	[tilespmem:s21+$0x0] =	vst v1;
	v3 =	vmax.f32 v3, $0.0e+00;
	v4 =	vadd.f32 v6, v4  }
0x51: {  	v2 =	vadd.f32 v2, v7;
	[tilespmem:s20+$0x10] =	vst v3  }
0x52: {  	[tilespmem:s21+$0x10] =	vst v1;
	v3 =	vmax.f32 v4, $0.0e+00  }
0x53: {  	v2 =	vmax.f32 v2, $0.0e+00;
	[tilespmem:s20+$0x20] =	vst v3  }
0x54: {  	[tilespmem:s20+$0xFFFFFFC0] =	vst v2  }
0x55: {  	[tilespmem:s23+$0x20] =	vst v1  }
0x56: {  	[tilespmem:s21+$0xFFFFFFC0] =	vst v1  }
0x57: {  	[spmem:s1] =	stream.indirect.scatter.add.f32 [tilespmem:s15], [sflag:$0x1], $0x1, s13, s12, $0xb8;
	[tilespmem:$0x3F10] =	vst v63  }
0x58: {  	_ = 	snop  }
0x59: {  	[spmem:s2] =	stream.indirect.scatter.add.f32 [tilespmem:s16], [sflag:$0x2], $0x1, s13, s12, $0xb8;
	[tilespmem:$0x3F10] =	vst v63  }
0x5a: {  	_ =	swait.ge [sflag:s17], $0xC80  }
0x5b: {  	[sflag:s17] =	ssyncset.done $0x0  }
0x5c: {  	[sflag:s17] =	ssyncadd.s32 $0xFFFFF380  }
0x5d: {  	_ =	swait.ge [sflag:s18], $0xC80  }
0x5e: {  	[sflag:s18] =	ssyncset.done $0x0  }
0x5f: {  	[sflag:s18] =	ssyncadd.s32 $0xFFFFF380  }
0x60: {  	s20 =	simm.s32 @!p0 $0x3E80;
	s21 =	simm.s32 @!p0 $0x4;
	[bflag:$0x0] =	sbarrier.arrive $0xFFFF  }
0x61: {  	[tilespmem:s20], [sflag:$0x4] =	stream.linear.gather @!p0 [spmem:s1], $0x80, $0x38;
	[tilespmem:$0x3F10] =	vst v63  }
0x62: {  	_ =	swait.ge @!p0 [sflag:s21], $0x80  }
0x63: {  	[sflag:s21] =	ssyncset.done @!p0 $0x0  }
0x64: {  	s22 =	simm.s32 @!p0 $0x0;
	[sflag:s21] =	ssyncadd.s32 @!p0 $0xFFFFFF80  }
0x65: {  	[hbm4b:s7+s22] =	stream.linear.scatter @!p0 [tilespmem:s20], [sflag:$0x4], $0x80, $0x38;
	[tilespmem:$0x3F10] =	vst v63  }
0x66: {  	_ =	swait.ge @!p0 [sflag:s21], $0x80  }
0x67: {  	[sflag:s21] =	ssyncset.done @!p0 $0x0  }
0x68: {  	[sflag:s21] =	ssyncadd.s32 @!p0 $0xFFFFFF80  }
0x69: {  	[tilespmem:s20], [sflag:$0x4] =	stream.linear.gather @!p0 [spmem:s2], $0x80, $0x38;
	[tilespmem:$0x3F10] =	vst v63  }
0x6a: {  	s19 =	sadd.s32 $0x1, s19;
	_ =	swait.ge @!p0 [sflag:s21], $0x80  }
0x6b: {  	p1 =	sne.s32 s19, s9;
	[sflag:s21] =	ssyncset.done @!p0 $0x0  }
.Ltmp1:
0x6c: {  	[sflag:s21] =	ssyncadd.s32 @!p0 $0xFFFFFF80;
	(pc) =	sbr.rel @p1 .LBB2_1-.Ltmp1, $4  }
0x6d: {  	[hbm4b:s8+s22] =	stream.linear.scatter @!p0 [tilespmem:s20], [sflag:$0x4], $0x80, $0x38;
	[tilespmem:$0x3F10] =	vst v63  }
0x6e: {  	_ =	swait.ge @!p0 [sflag:s21], $0x80  }
0x6f: {  	[sflag:s21] =	ssyncset.done @!p0 $0x0  }
0x70: {  	[sflag:s21] =	ssyncadd.s32 @!p0 $0xFFFFFF80  }
0x71: {  	_ =	sfence.sel $0x180000  }
0x72: {  	[bflag:$0x0] =	sbarrier.arrive $0xFFFF  }
0x73: {  	_ =	strace $0x9000004A  }
0x74: {  	s0 =	sadd.s32 @!p0 $0x100000, s0;
	[bflag:$0x2] =	sbarrier.arrive $0xFFFF  }
0x75: {  	[sflag:s0] =	ssyncadd.tile.s32 @!p0 $0x1;
	_ =	shalt  }
.Lfunc_end2:
_tile_overlayer_lowered:
.L_overlay_start_2:
0x76: {  	(tag) =	ssettag $0x2  }
0x77: {  	s0 =	rddreg [dreg:$0x0];
	s2 =	stileid.u32  }
0x78: {  	s1 =	rddreg [dreg:$0x1];
	p0 =	sne.s32 s2, $0x0  }
0x79: {  	s3 =	rddreg [dreg:$0x2];
	[bflag:$0x3] =	sbarrier.arrive $0xFFFF;
	s2 =	simm.s32 @!p0 $0x1C04  }
0x7a: {  	[timem:s3], [sflag:s2] =	dma.local @!p0 [hbm:s0], s1  }
0x7b: {  	s0 =	simm.s32 @!p0 $0x4  }
0x7c: {  	_ =	swait.ge @!p0 [sflag:s0], s1  }
0x7d: {  	s1 =	ssub.s32 @!p0 $0x0, s1;
	[sflag:s0] =	ssyncset.done @!p0 $0x0  }
0x7e: {  	[sflag:s0] =	ssyncadd.s32 @!p0 s1  }
0x7f: {  	[bflag:$0x3] =	sbarrier.arrive $0xFFFF  }
0x80: {  	_ =	shalt  }

</sc_bundles>
